<compile_context>
chip_gen: v7x
topology: tpu7x:2x2x1
jax: 0.10.2.dev20260603
libtpu: 0.0.44.dev20260713+nightly
codegen_flags: <defaults>
</compile_context>

<pallas_src>
import functools

import jax
import jax.numpy as jnp
from jax import lax
from jax.experimental import pallas as pl
from jax.experimental.pallas import tpu as pltpu
from jax.experimental.pallas import tpu_sc as plsc

N = 10000
E = 320000
D_EDGE = 16
D_NODE = 128
H = 128
HH = H // 2

NC = 2
NS = 16
NW = NC * NS
K = 80
NCHA = E // (NW * K)
NCHB = E // (NS * K)
NROW = 10240
RPT = NROW // NS
ZR = 128

_mesh = plsc.VectorSubcoreMesh(core_axis_name="c", subcore_axis_name="s",
                               num_cores=NC, num_subcores=NS)


def _zero_fill(zbuf, ncol16):
    z = jnp.zeros((16,), jnp.float32)

    def zrow(i, _):
        for c in range(ncol16):
            zbuf[i, pl.ds(c * 16, 16)] = z
        return 0

    lax.fori_loop(0, ZR, zrow, 0)


@functools.partial(
    pl.kernel,
    out_type=jax.ShapeDtypeStruct((NC, NROW, 2 * D_EDGE), jnp.float32),
    mesh=_mesh,
    compiler_params=pltpu.CompilerParams(use_tc_tiling_on_sc=False),
    scratch_types=[
        pltpu.VMEM((NCHA, K), jnp.int32),
        pltpu.VMEM((K, 16), jnp.float32),
        pltpu.VMEM((K, D_EDGE), jnp.float32),
        pltpu.VMEM((K, 2 * D_EDGE), jnp.float32),
        pltpu.VMEM((ZR, 2 * D_EDGE), jnp.float32),
        pltpu.VMEM_SHARED((NROW, 2 * D_EDGE), jnp.float32),
    ],
)
def _sc_edge_scatter(dst_hbm, attr_hbm, w_hbm, out_hbm,
                     dstv, wrepv, attrv, msgv, zbuf, acc):
    cid = lax.axis_index("c")
    sid = lax.axis_index("s")
    wid = cid * NS + sid

    _zero_fill(zbuf, 2)
    for b in range(RPT // ZR):
        pltpu.sync_copy(zbuf, acc.at[pl.ds(sid * RPT + b * ZR, ZR)])
    plsc.subcore_barrier()

    pltpu.sync_copy(dst_hbm.at[wid], dstv)

    lane = lax.iota(jnp.int32, 16)
    cvec = jnp.where(lane == 0, 1.0, 0.0).astype(jnp.float32)

    def chunk(j, _):
        pltpu.sync_copy(attr_hbm.at[wid, j], attrv)
        pltpu.sync_copy(w_hbm.at[wid, j], wrepv)

        def row(r, _):
            wbc = wrepv[r, pl.ds(0, 16)]
            msgv[r, pl.ds(0, 16)] = attrv[r, pl.ds(0, 16)] * wbc
            msgv[r, pl.ds(16, 16)] = cvec
            return 0

        lax.fori_loop(0, K, row, 0)
        pltpu.sync_copy(msgv, acc.at[dstv.at[j]], add=True)
        return 0

    lax.fori_loop(0, NCHA, chunk, 0)
    plsc.subcore_barrier()
    for b in range(RPT // ZR):
        sl = pl.ds(sid * RPT + b * ZR, ZR)
        pltpu.sync_copy(acc.at[sl], out_hbm.at[cid, sl])


@functools.partial(
    pl.kernel,
    out_type=jax.ShapeDtypeStruct((NC, NROW, HH), jnp.float32),
    mesh=_mesh,
    compiler_params=pltpu.CompilerParams(use_tc_tiling_on_sc=False),
    scratch_types=[
        pltpu.VMEM((NCHB, K), jnp.int32),
        pltpu.VMEM((NCHB, K), jnp.int32),
        pltpu.VMEM((K, 16), jnp.float32),
        pltpu.VMEM((K, HH), jnp.float32),
        pltpu.VMEM((ZR, HH), jnp.float32),
        pltpu.VMEM_SHARED((NROW, HH), jnp.float32),
        pltpu.SemaphoreType.DMA,
    ],
)
def _sc_msg_scatter(src_hbm, dst_hbm, w_hbm, h0pair_hbm, out_hbm,
                    srcv, dstv, wrepv, rows, zbuf, acc, sem):
    cid = lax.axis_index("c")
    sid = lax.axis_index("s")

    _zero_fill(zbuf, HH // 16)
    for b in range(RPT // ZR):
        pltpu.sync_copy(zbuf, acc.at[pl.ds(sid * RPT + b * ZR, ZR)])
    plsc.subcore_barrier()

    pltpu.sync_copy(src_hbm.at[sid], srcv)
    pltpu.sync_copy(dst_hbm.at[sid], dstv)

    def chunk(j, _):
        pltpu.async_copy(h0pair_hbm.at[cid].at[srcv.at[j]], rows, sem).wait()
        pltpu.sync_copy(w_hbm.at[sid, j], wrepv)

        def row(r, _):
            wbc = wrepv[r, pl.ds(0, 16)]
            for c in range(HH // 16):
                rows[r, pl.ds(c * 16, 16)] = rows[r, pl.ds(c * 16, 16)] * wbc
            return 0

        lax.fori_loop(0, K, row, 0)
        pltpu.sync_copy(rows, acc.at[dstv.at[j]], add=True)
        return 0

    lax.fori_loop(0, NCHB, chunk, 0)
    plsc.subcore_barrier()
    for b in range(RPT // ZR):
        sl = pl.ds(sid * RPT + b * ZR, ZR)
        pltpu.sync_copy(acc.at[sl], out_hbm.at[cid, sl])


_BLK = 1000


def _tc_h0_body(x_ref, pa_ref, w0_ref, b0_ref, o_ref, o2_ref):
    inc = pa_ref[0, :, 0:D_EDGE] + pa_ref[1, :, 0:D_EDGE]
    acc = lax.dot_general(x_ref[...], w0_ref[:, 0:D_NODE],
                          (((1,), (1,)), ((), ())),
                          preferred_element_type=jnp.float32)
    acc = acc + lax.dot_general(inc, w0_ref[:, D_NODE:D_NODE + D_EDGE],
                                (((1,), (1,)), ((), ())),
                                preferred_element_type=jnp.float32)
    h0 = jnp.maximum(acc + b0_ref[...], 0.0)
    o_ref[...] = h0
    o2_ref[0] = h0[:, 0:HH]
    o2_ref[1] = h0[:, HH:H]


def _tc_out_body(h0_ref, pb_ref, pa_ref, w1_ref, b1_ref, nw_ref, o_ref):
    cnt = pa_ref[0, :, D_EDGE:D_EDGE + 1] + pa_ref[1, :, D_EDGE:D_EDGE + 1]
    s = jnp.concatenate([pb_ref[0], pb_ref[1]], axis=1)
    aggr = s / jnp.maximum(cnt, 1.0)
    acc = lax.dot_general(aggr, w1_ref[...], (((1,), (1,)), ((), ())),
                          preferred_element_type=jnp.float32)
    o_ref[...] = jnp.maximum(h0_ref[...] + acc + b1_ref[...], 0.0) * nw_ref[...]


def kernel(x, edge_index, edge_attr, edge_weight, node_weight, W0, b0, W1, b1):
    dst_a = edge_index[1].reshape(NW, NCHA, K)
    attr_a = edge_attr.reshape(NW, NCHA, K, D_EDGE)
    wrep = jnp.broadcast_to(edge_weight[:, None], (E, 16))
    wrep_a = wrep.reshape(NW, NCHA, K, 16)

    part_a = _sc_edge_scatter(dst_a, attr_a, wrep_a)

    grid = N // _BLK
    h0, h0pair = pl.pallas_call(
        _tc_h0_body,
        grid=(grid,),
        in_specs=[
            pl.BlockSpec((_BLK, D_NODE), lambda i: (i, 0)),
            pl.BlockSpec((NC, _BLK, 2 * D_EDGE), lambda i: (0, i, 0)),
            pl.BlockSpec((H, D_NODE + D_EDGE), lambda i: (0, 0)),
            pl.BlockSpec((1, H), lambda i: (0, 0)),
        ],
        out_specs=[
            pl.BlockSpec((_BLK, H), lambda i: (i, 0)),
            pl.BlockSpec((NC, _BLK, HH), lambda i: (0, i, 0)),
        ],
        out_shape=[
            jax.ShapeDtypeStruct((N, H), jnp.float32),
            jax.ShapeDtypeStruct((NC, N, HH), jnp.float32),
        ],
    )(x, part_a, W0, b0.reshape(1, H))

    src_b = edge_index[0].reshape(NS, NCHB, K)
    dst_b = edge_index[1].reshape(NS, NCHB, K)
    wrep_b = wrep.reshape(NS, NCHB, K, 16)

    part_b = _sc_msg_scatter(src_b, dst_b, wrep_b, h0pair)

    h = pl.pallas_call(
        _tc_out_body,
        grid=(grid,),
        in_specs=[
            pl.BlockSpec((_BLK, H), lambda i: (i, 0)),
            pl.BlockSpec((NC, _BLK, HH), lambda i: (0, i, 0)),
            pl.BlockSpec((NC, _BLK, 2 * D_EDGE), lambda i: (0, i, 0)),
            pl.BlockSpec((H, H), lambda i: (0, 0)),
            pl.BlockSpec((1, H), lambda i: (0, 0)),
            pl.BlockSpec((_BLK, 1), lambda i: (i, 0)),
        ],
        out_specs=pl.BlockSpec((_BLK, H), lambda i: (i, 0)),
        out_shape=jax.ShapeDtypeStruct((N, H), jnp.float32),
    )(h0, part_b, part_a, W1, b1.reshape(1, H), node_weight.reshape(N, 1))

    return (h, h0)

# --- scband reference (transcript-rebuilt; emitter-appended) ---
"""Pipeline reference for scband-wdnode-mpnnlayer-57681410785500 (READ-ONLY COPY).

The authoritative reference and input builder live on the scoring server;
editing this copy changes nothing except your own understanding.
"""

import jax, jax.numpy as jnp
import numpy as np

N = 10000
E = 320000
D_NODE = 128
D_EDGE = 16
H = 128


def setup_inputs(seed: int = 0) -> dict:
    key = jax.random.key(seed)
    ks = jax.random.split(key, 9)
    x = jax.random.normal(ks[0], (N, D_NODE), dtype=jnp.float32)
    edge_index = jax.random.randint(ks[1], (2, E), 0, N, dtype=jnp.int32)
    edge_attr = jax.random.normal(ks[2], (E, D_EDGE), dtype=jnp.float32)
    edge_weight = jax.random.uniform(ks[3], (E,), dtype=jnp.float32)
    node_weight = jax.random.uniform(ks[4], (N,), dtype=jnp.float32)
    W0 = jax.random.normal(ks[5], (H, D_NODE + D_EDGE), dtype=jnp.float32) * 0.05
    b0 = jnp.zeros((H,), dtype=jnp.float32)
    W1 = jax.random.normal(ks[6], (H, H), dtype=jnp.float32) * 0.05
    b1 = jnp.zeros((H,), dtype=jnp.float32)
    return {"x": x, "edge_index": edge_index, "edge_attr": edge_attr,
            "edge_weight": edge_weight, "node_weight": node_weight,
            "W0": W0, "b0": b0, "W1": W1, "b1": b1}


def reference(x, edge_index, edge_attr, edge_weight, node_weight, W0, b0, W1, b1):
    n = x.shape[0]
    src = edge_index[0]
    dst = edge_index[1]
    # isFirstLayer: scatter-add edge_weight * edge_attr onto destination nodes
    inc = jnp.zeros((n, edge_attr.shape[1]), dtype=x.dtype).at[dst].add(
        edge_weight[:, None] * edge_attr)
    concat = jnp.concatenate([x, inc], axis=1)
    h0 = jax.nn.relu(concat @ W0.T + b0)
    # MessagePassingLayer: flow source_to_target, aggr='mean'
    msg = edge_weight[:, None] * h0[src]
    summed = jax.ops.segment_sum(msg, dst, num_segments=n)
    cnt = jax.ops.segment_sum(jnp.ones((msg.shape[0],), dtype=x.dtype), dst, num_segments=n)
    aggr = summed / jnp.maximum(cnt, 1.0)[:, None]
    # update: relu(h0 + linear(aggr))
    h = jax.nn.relu(h0 + aggr @ W1.T + b1)
    # isLastLayer: scale by node_weight
    h = h * node_weight[:, None]
    return (h, h0)

if __name__ == "__main__":
    import jax
    _d = setup_inputs()
    print(jax.jit(kernel)(*tuple(_d.values())))

</pallas_src>

<mosaic_0001>
#map = affine_map<(d0, d1) -> (0, 0, 0)>
#map1 = affine_map<(d0, d1) -> (0, 0, 0, 0)>
module attributes {stable_mosaic.version = 14 : i64} {
  func.func @_sc_msg_scatter(%arg0: i32, %arg1: i32, %arg2: memref<16x250x80xi32, #tpu.memory_space<hbm>>, %arg3: memref<16x250x80xi32, #tpu.memory_space<hbm>>, %arg4: memref<16x250x80x16xf32, #tpu.memory_space<hbm>>, %arg5: memref<2x10000x64xf32, #tpu.memory_space<hbm>>, %arg6: memref<2x10240x64xf32, #tpu.memory_space<hbm>>, %arg7: memref<250x80xi32, #tpu.memory_space<vmem>>, %arg8: memref<250x80xi32, #tpu.memory_space<vmem>>, %arg9: memref<80x16xf32, #tpu.memory_space<vmem>>, %arg10: memref<80x64xf32, #tpu.memory_space<vmem>>, %arg11: memref<128x64xf32, #tpu.memory_space<vmem>>, %arg12: memref<10240x64xf32, #tpu.memory_space<vmem_shared>>, %arg13: memref<!tpu.dma_semaphore, #tpu.memory_space<semaphore_mem>>) attributes {dimension_semantics = [#tpu.dimension_semantics<core_parallel>, #tpu.dimension_semantics<subcore_parallel>], iteration_bounds = array<i64: 2, 16>, scalar_prefetch = 0 : i64, scratch_operands = 7 : i64, tpu.core_type = #tpu.core_type<sc_vector_subcore>, window_params = [{transform_indices = #map}, {transform_indices = #map}, {transform_indices = #map1}, {transform_indices = #map}, {transform_indices = #map}]} {
    %broadcast_in_dim3A = arith.constant 0.000000e+00 : f32
    %broadcast_in_dim3A_0 = vector.broadcast %broadcast_in_dim3A : f32 to vector<16xf32>
    %scan3A = arith.constant 0 : i32
    %scan3A_1 = arith.constant 0 : i32
    %scan3A_2 = arith.constant 128 : i32
    %scan3A_3 = arith.addi %scan3A_1, %scan3A_2 : i32
    %scan3A_4 = arith.constant 1 : i32
    %scan3A_5 = scf.for %scan3A_53 = %scan3A_1 to %scan3A_3 step %scan3A_4 iter_args(%scan3A_54 = %scan3A) -> (i32)  : i32 {
      %swap3A = arith.index_cast %scan3A_53 : i32 to index
      %swap3A_55 = arith.constant 0 : index
      %swap3A_56 = tpu.vector_load %arg11[%swap3A, %swap3A_55] {strides = array<i32>} : memref<128x64xf32, #tpu.memory_space<vmem>>, vector<1x16xf32>,
      %swap3A_57 = vector.shape_cast %swap3A_56 : vector<1x16xf32> to vector<16xf32>
      %swap3A_58 = vector.shape_cast %broadcast_in_dim3A_0 : vector<16xf32> to vector<1x16xf32>
      tpu.vector_store %arg11[%swap3A, %swap3A_55], %swap3A_58 {strides = array<i32>} : memref<128x64xf32, #tpu.memory_space<vmem>>, vector<1x16xf32>,
      %swap3A_59 = arith.index_cast %scan3A_53 : i32 to index
      %swap3A_60 = arith.constant 16 : index
      %swap3A_61 = tpu.vector_load %arg11[%swap3A_59, %swap3A_60] {strides = array<i32>} : memref<128x64xf32, #tpu.memory_space<vmem>>, vector<1x16xf32>,
      %swap3A_62 = vector.shape_cast %swap3A_61 : vector<1x16xf32> to vector<16xf32>
      %swap3A_63 = vector.shape_cast %broadcast_in_dim3A_0 : vector<16xf32> to vector<1x16xf32>
      tpu.vector_store %arg11[%swap3A_59, %swap3A_60], %swap3A_63 {strides = array<i32>} : memref<128x64xf32, #tpu.memory_space<vmem>>, vector<1x16xf32>,
      %swap3A_64 = arith.index_cast %scan3A_53 : i32 to index
      %swap3A_65 = arith.constant 32 : index
      %swap3A_66 = tpu.vector_load %arg11[%swap3A_64, %swap3A_65] {strides = array<i32>} : memref<128x64xf32, #tpu.memory_space<vmem>>, vector<1x16xf32>,
      %swap3A_67 = vector.shape_cast %swap3A_66 : vector<1x16xf32> to vector<16xf32>
      %swap3A_68 = vector.shape_cast %broadcast_in_dim3A_0 : vector<16xf32> to vector<1x16xf32>
      tpu.vector_store %arg11[%swap3A_64, %swap3A_65], %swap3A_68 {strides = array<i32>} : memref<128x64xf32, #tpu.memory_space<vmem>>, vector<1x16xf32>,
      %swap3A_69 = arith.index_cast %scan3A_53 : i32 to index
      %swap3A_70 = arith.constant 48 : index
      %swap3A_71 = tpu.vector_load %arg11[%swap3A_69, %swap3A_70] {strides = array<i32>} : memref<128x64xf32, #tpu.memory_space<vmem>>, vector<1x16xf32>,
      %swap3A_72 = vector.shape_cast %swap3A_71 : vector<1x16xf32> to vector<16xf32>
      %swap3A_73 = vector.shape_cast %broadcast_in_dim3A_0 : vector<16xf32> to vector<1x16xf32>
      tpu.vector_store %arg11[%swap3A_69, %swap3A_70], %swap3A_73 {strides = array<i32>} : memref<128x64xf32, #tpu.memory_space<vmem>>, vector<1x16xf32>,
      %scan3A_74 = arith.constant 0 : i32
      scf.yield %scan3A_74 : i32
    }
    %scan3A_6 = arith.constant 128 : i32
    %mul3A = arith.constant 640 : i32
    %mul3A_7 = arith.muli %arg1, %mul3A : i32
    %add3A = arith.constant 0 : i32
    %add3A_8 = arith.addi %mul3A_7, %add3A : i32
    "tpu.region"() ({
      %run_scoped3A = tpu.sem_alloc : memref<!tpu.dma_semaphore, #tpu.memory_space<semaphore_mem>>
      %dma_start3A = arith.constant 0 : i32
      %dma_start3A_53 = tpu.memref_slice %arg12[%add3A_8, %dma_start3A] : memref<10240x64xf32, #tpu.memory_space<vmem_shared>> -> memref<128x64xf32, #tpu.memory_space<vmem_shared>>
      %dma_start3A_54 = arith.constant 0 : i32
      %dma_start3A_55 = tpu.memref_slice %arg12[%add3A_8, %dma_start3A_54] : memref<10240x64xf32, #tpu.memory_space<vmem_shared>> -> memref<128x64xf32, #tpu.memory_space<vmem_shared>>
      tpu.enqueue_dma source(%arg11 : memref<128x64xf32, #tpu.memory_space<vmem>>) target(%dma_start3A_55 : memref<128x64xf32, #tpu.memory_space<vmem_shared>>) target_semaphore(%run_scoped3A : memref<!tpu.dma_semaphore, #tpu.memory_space<semaphore_mem>>)
      %dma_wait3A = arith.constant 0 : i32
      %dma_wait3A_56 = tpu.memref_slice %arg12[%add3A_8, %dma_wait3A] : memref<10240x64xf32, #tpu.memory_space<vmem_shared>> -> memref<128x64xf32, #tpu.memory_space<vmem_shared>>
      %dma_wait3A_57 = arith.constant 0 : i32
      %dma_wait3A_58 = tpu.memref_slice %arg12[%add3A_8, %dma_wait3A_57] : memref<10240x64xf32, #tpu.memory_space<vmem_shared>> -> memref<128x64xf32, #tpu.memory_space<vmem_shared>>
      tpu.wait_dma2 semaphore(%run_scoped3A : memref<!tpu.dma_semaphore, #tpu.memory_space<semaphore_mem>>) src(%arg11 : memref<128x64xf32, #tpu.memory_space<vmem>>) dst(%dma_wait3A_58 : memref<128x64xf32, #tpu.memory_space<vmem_shared>>)
      tpu.yield
    }) : () -> ()
    %mul3A_9 = arith.constant 640 : i32
    %mul3A_10 = arith.muli %arg1, %mul3A_9 : i32
    %add3A_11 = arith.constant 128 : i32
    %add3A_12 = arith.addi %mul3A_10, %add3A_11 : i32
    "tpu.region"() ({
      %run_scoped3A = tpu.sem_alloc : memref<!tpu.dma_semaphore, #tpu.memory_space<semaphore_mem>>
      %dma_start3A = arith.constant 0 : i32
      %dma_start3A_53 = tpu.memref_slice %arg12[%add3A_12, %dma_start3A] : memref<10240x64xf32, #tpu.memory_space<vmem_shared>> -> memref<128x64xf32, #tpu.memory_space<vmem_shared>>
      %dma_start3A_54 = arith.constant 0 : i32
      %dma_start3A_55 = tpu.memref_slice %arg12[%add3A_12, %dma_start3A_54] : memref<10240x64xf32, #tpu.memory_space<vmem_shared>> -> memref<128x64xf32, #tpu.memory_space<vmem_shared>>
      tpu.enqueue_dma source(%arg11 : memref<128x64xf32, #tpu.memory_space<vmem>>) target(%dma_start3A_55 : memref<128x64xf32, #tpu.memory_space<vmem_shared>>) target_semaphore(%run_scoped3A : memref<!tpu.dma_semaphore, #tpu.memory_space<semaphore_mem>>)
      %dma_wait3A = arith.constant 0 : i32
      %dma_wait3A_56 = tpu.memref_slice %arg12[%add3A_12, %dma_wait3A] : memref<10240x64xf32, #tpu.memory_space<vmem_shared>> -> memref<128x64xf32, #tpu.memory_space<vmem_shared>>
      %dma_wait3A_57 = arith.constant 0 : i32
      %dma_wait3A_58 = tpu.memref_slice %arg12[%add3A_12, %dma_wait3A_57] : memref<10240x64xf32, #tpu.memory_space<vmem_shared>> -> memref<128x64xf32, #tpu.memory_space<vmem_shared>>
      tpu.wait_dma2 semaphore(%run_scoped3A : memref<!tpu.dma_semaphore, #tpu.memory_space<semaphore_mem>>) src(%arg11 : memref<128x64xf32, #tpu.memory_space<vmem>>) dst(%dma_wait3A_58 : memref<128x64xf32, #tpu.memory_space<vmem_shared>>)
      tpu.yield
    }) : () -> ()
    %mul3A_13 = arith.constant 640 : i32
    %mul3A_14 = arith.muli %arg1, %mul3A_13 : i32
    %add3A_15 = arith.constant 256 : i32
    %add3A_16 = arith.addi %mul3A_14, %add3A_15 : i32
    "tpu.region"() ({
      %run_scoped3A = tpu.sem_alloc : memref<!tpu.dma_semaphore, #tpu.memory_space<semaphore_mem>>
      %dma_start3A = arith.constant 0 : i32
      %dma_start3A_53 = tpu.memref_slice %arg12[%add3A_16, %dma_start3A] : memref<10240x64xf32, #tpu.memory_space<vmem_shared>> -> memref<128x64xf32, #tpu.memory_space<vmem_shared>>
      %dma_start3A_54 = arith.constant 0 : i32
      %dma_start3A_55 = tpu.memref_slice %arg12[%add3A_16, %dma_start3A_54] : memref<10240x64xf32, #tpu.memory_space<vmem_shared>> -> memref<128x64xf32, #tpu.memory_space<vmem_shared>>
      tpu.enqueue_dma source(%arg11 : memref<128x64xf32, #tpu.memory_space<vmem>>) target(%dma_start3A_55 : memref<128x64xf32, #tpu.memory_space<vmem_shared>>) target_semaphore(%run_scoped3A : memref<!tpu.dma_semaphore, #tpu.memory_space<semaphore_mem>>)
      %dma_wait3A = arith.constant 0 : i32
      %dma_wait3A_56 = tpu.memref_slice %arg12[%add3A_16, %dma_wait3A] : memref<10240x64xf32, #tpu.memory_space<vmem_shared>> -> memref<128x64xf32, #tpu.memory_space<vmem_shared>>
      %dma_wait3A_57 = arith.constant 0 : i32
      %dma_wait3A_58 = tpu.memref_slice %arg12[%add3A_16, %dma_wait3A_57] : memref<10240x64xf32, #tpu.memory_space<vmem_shared>> -> memref<128x64xf32, #tpu.memory_space<vmem_shared>>
      tpu.wait_dma2 semaphore(%run_scoped3A : memref<!tpu.dma_semaphore, #tpu.memory_space<semaphore_mem>>) src(%arg11 : memref<128x64xf32, #tpu.memory_space<vmem>>) dst(%dma_wait3A_58 : memref<128x64xf32, #tpu.memory_space<vmem_shared>>)
      tpu.yield
    }) : () -> ()
    %mul3A_17 = arith.constant 640 : i32
    %mul3A_18 = arith.muli %arg1, %mul3A_17 : i32
    %add3A_19 = arith.constant 384 : i32
    %add3A_20 = arith.addi %mul3A_18, %add3A_19 : i32
    "tpu.region"() ({
      %run_scoped3A = tpu.sem_alloc : memref<!tpu.dma_semaphore, #tpu.memory_space<semaphore_mem>>
      %dma_start3A = arith.constant 0 : i32
      %dma_start3A_53 = tpu.memref_slice %arg12[%add3A_20, %dma_start3A] : memref<10240x64xf32, #tpu.memory_space<vmem_shared>> -> memref<128x64xf32, #tpu.memory_space<vmem_shared>>
      %dma_start3A_54 = arith.constant 0 : i32
      %dma_start3A_55 = tpu.memref_slice %arg12[%add3A_20, %dma_start3A_54] : memref<10240x64xf32, #tpu.memory_space<vmem_shared>> -> memref<128x64xf32, #tpu.memory_space<vmem_shared>>
      tpu.enqueue_dma source(%arg11 : memref<128x64xf32, #tpu.memory_space<vmem>>) target(%dma_start3A_55 : memref<128x64xf32, #tpu.memory_space<vmem_shared>>) target_semaphore(%run_scoped3A : memref<!tpu.dma_semaphore, #tpu.memory_space<semaphore_mem>>)
      %dma_wait3A = arith.constant 0 : i32
      %dma_wait3A_56 = tpu.memref_slice %arg12[%add3A_20, %dma_wait3A] : memref<10240x64xf32, #tpu.memory_space<vmem_shared>> -> memref<128x64xf32, #tpu.memory_space<vmem_shared>>
      %dma_wait3A_57 = arith.constant 0 : i32
      %dma_wait3A_58 = tpu.memref_slice %arg12[%add3A_20, %dma_wait3A_57] : memref<10240x64xf32, #tpu.memory_space<vmem_shared>> -> memref<128x64xf32, #tpu.memory_space<vmem_shared>>
      tpu.wait_dma2 semaphore(%run_scoped3A : memref<!tpu.dma_semaphore, #tpu.memory_space<semaphore_mem>>) src(%arg11 : memref<128x64xf32, #tpu.memory_space<vmem>>) dst(%dma_wait3A_58 : memref<128x64xf32, #tpu.memory_space<vmem_shared>>)
      tpu.yield
    }) : () -> ()
    %mul3A_21 = arith.constant 640 : i32
    %mul3A_22 = arith.muli %arg1, %mul3A_21 : i32
    %add3A_23 = arith.constant 512 : i32
    %add3A_24 = arith.addi %mul3A_22, %add3A_23 : i32
    "tpu.region"() ({
      %run_scoped3A = tpu.sem_alloc : memref<!tpu.dma_semaphore, #tpu.memory_space<semaphore_mem>>
      %dma_start3A = arith.constant 0 : i32
      %dma_start3A_53 = tpu.memref_slice %arg12[%add3A_24, %dma_start3A] : memref<10240x64xf32, #tpu.memory_space<vmem_shared>> -> memref<128x64xf32, #tpu.memory_space<vmem_shared>>
      %dma_start3A_54 = arith.constant 0 : i32
      %dma_start3A_55 = tpu.memref_slice %arg12[%add3A_24, %dma_start3A_54] : memref<10240x64xf32, #tpu.memory_space<vmem_shared>> -> memref<128x64xf32, #tpu.memory_space<vmem_shared>>
      tpu.enqueue_dma source(%arg11 : memref<128x64xf32, #tpu.memory_space<vmem>>) target(%dma_start3A_55 : memref<128x64xf32, #tpu.memory_space<vmem_shared>>) target_semaphore(%run_scoped3A : memref<!tpu.dma_semaphore, #tpu.memory_space<semaphore_mem>>)
      %dma_wait3A = arith.constant 0 : i32
      %dma_wait3A_56 = tpu.memref_slice %arg12[%add3A_24, %dma_wait3A] : memref<10240x64xf32, #tpu.memory_space<vmem_shared>> -> memref<128x64xf32, #tpu.memory_space<vmem_shared>>
      %dma_wait3A_57 = arith.constant 0 : i32
      %dma_wait3A_58 = tpu.memref_slice %arg12[%add3A_24, %dma_wait3A_57] : memref<10240x64xf32, #tpu.memory_space<vmem_shared>> -> memref<128x64xf32, #tpu.memory_space<vmem_shared>>
      tpu.wait_dma2 semaphore(%run_scoped3A : memref<!tpu.dma_semaphore, #tpu.memory_space<semaphore_mem>>) src(%arg11 : memref<128x64xf32, #tpu.memory_space<vmem>>) dst(%dma_wait3A_58 : memref<128x64xf32, #tpu.memory_space<vmem_shared>>)
      tpu.yield
    }) : () -> ()
    %barrier3A = arith.constant 0 : index
    tpu.barrier barrier_id(%barrier3A)
    "tpu.region"() ({
      %run_scoped3A = tpu.sem_alloc : memref<!tpu.dma_semaphore, #tpu.memory_space<semaphore_mem>>
      %dma_start3A = arith.constant 0 : i32
      %dma_start3A_53 = arith.constant 0 : i32
      %dma_start3A_54 = tpu.memref_slice %arg2[%arg1, %dma_start3A, %dma_start3A_53] : memref<16x250x80xi32, #tpu.memory_space<hbm>> -> memref<1x250x80xi32, #tpu.memory_space<hbm>>
      %dma_start3A_55 = tpu.memref_squeeze %dma_start3A_54 : memref<1x250x80xi32, #tpu.memory_space<hbm>> -> memref<250x80xi32, #tpu.memory_space<hbm>>
      %dma_start3A_56 = arith.constant 0 : i32
      %dma_start3A_57 = arith.constant 0 : i32
      %dma_start3A_58 = tpu.memref_slice %arg2[%arg1, %dma_start3A_56, %dma_start3A_57] : memref<16x250x80xi32, #tpu.memory_space<hbm>> -> memref<1x250x80xi32, #tpu.memory_space<hbm>>
      %dma_start3A_59 = tpu.memref_squeeze %dma_start3A_58 : memref<1x250x80xi32, #tpu.memory_space<hbm>> -> memref<250x80xi32, #tpu.memory_space<hbm>>
      tpu.enqueue_dma source(%dma_start3A_59 : memref<250x80xi32, #tpu.memory_space<hbm>>) target(%arg7 : memref<250x80xi32, #tpu.memory_space<vmem>>) target_semaphore(%run_scoped3A : memref<!tpu.dma_semaphore, #tpu.memory_space<semaphore_mem>>)
      %dma_wait3A = arith.constant 0 : i32
      %dma_wait3A_60 = arith.constant 0 : i32
      %dma_wait3A_61 = tpu.memref_slice %arg2[%arg1, %dma_wait3A, %dma_wait3A_60] : memref<16x250x80xi32, #tpu.memory_space<hbm>> -> memref<1x250x80xi32, #tpu.memory_space<hbm>>
      %dma_wait3A_62 = tpu.memref_squeeze %dma_wait3A_61 : memref<1x250x80xi32, #tpu.memory_space<hbm>> -> memref<250x80xi32, #tpu.memory_space<hbm>>
      %dma_wait3A_63 = arith.constant 0 : i32
      %dma_wait3A_64 = arith.constant 0 : i32
      %dma_wait3A_65 = tpu.memref_slice %arg2[%arg1, %dma_wait3A_63, %dma_wait3A_64] : memref<16x250x80xi32, #tpu.memory_space<hbm>> -> memref<1x250x80xi32, #tpu.memory_space<hbm>>
      %dma_wait3A_66 = tpu.memref_squeeze %dma_wait3A_65 : memref<1x250x80xi32, #tpu.memory_space<hbm>> -> memref<250x80xi32, #tpu.memory_space<hbm>>
      tpu.wait_dma2 semaphore(%run_scoped3A : memref<!tpu.dma_semaphore, #tpu.memory_space<semaphore_mem>>) src(%dma_wait3A_66 : memref<250x80xi32, #tpu.memory_space<hbm>>) dst(%arg7 : memref<250x80xi32, #tpu.memory_space<vmem>>)
      tpu.yield
    }) : () -> ()
    "tpu.region"() ({
      %run_scoped3A = tpu.sem_alloc : memref<!tpu.dma_semaphore, #tpu.memory_space<semaphore_mem>>
      %dma_start3A = arith.constant 0 : i32
      %dma_start3A_53 = arith.constant 0 : i32
      %dma_start3A_54 = tpu.memref_slice %arg3[%arg1, %dma_start3A, %dma_start3A_53] : memref<16x250x80xi32, #tpu.memory_space<hbm>> -> memref<1x250x80xi32, #tpu.memory_space<hbm>>
      %dma_start3A_55 = tpu.memref_squeeze %dma_start3A_54 : memref<1x250x80xi32, #tpu.memory_space<hbm>> -> memref<250x80xi32, #tpu.memory_space<hbm>>
      %dma_start3A_56 = arith.constant 0 : i32
      %dma_start3A_57 = arith.constant 0 : i32
      %dma_start3A_58 = tpu.memref_slice %arg3[%arg1, %dma_start3A_56, %dma_start3A_57] : memref<16x250x80xi32, #tpu.memory_space<hbm>> -> memref<1x250x80xi32, #tpu.memory_space<hbm>>
      %dma_start3A_59 = tpu.memref_squeeze %dma_start3A_58 : memref<1x250x80xi32, #tpu.memory_space<hbm>> -> memref<250x80xi32, #tpu.memory_space<hbm>>
      tpu.enqueue_dma source(%dma_start3A_59 : memref<250x80xi32, #tpu.memory_space<hbm>>) target(%arg8 : memref<250x80xi32, #tpu.memory_space<vmem>>) target_semaphore(%run_scoped3A : memref<!tpu.dma_semaphore, #tpu.memory_space<semaphore_mem>>)
      %dma_wait3A = arith.constant 0 : i32
      %dma_wait3A_60 = arith.constant 0 : i32
      %dma_wait3A_61 = tpu.memref_slice %arg3[%arg1, %dma_wait3A, %dma_wait3A_60] : memref<16x250x80xi32, #tpu.memory_space<hbm>> -> memref<1x250x80xi32, #tpu.memory_space<hbm>>
      %dma_wait3A_62 = tpu.memref_squeeze %dma_wait3A_61 : memref<1x250x80xi32, #tpu.memory_space<hbm>> -> memref<250x80xi32, #tpu.memory_space<hbm>>
      %dma_wait3A_63 = arith.constant 0 : i32
      %dma_wait3A_64 = arith.constant 0 : i32
      %dma_wait3A_65 = tpu.memref_slice %arg3[%arg1, %dma_wait3A_63, %dma_wait3A_64] : memref<16x250x80xi32, #tpu.memory_space<hbm>> -> memref<1x250x80xi32, #tpu.memory_space<hbm>>
      %dma_wait3A_66 = tpu.memref_squeeze %dma_wait3A_65 : memref<1x250x80xi32, #tpu.memory_space<hbm>> -> memref<250x80xi32, #tpu.memory_space<hbm>>
      tpu.wait_dma2 semaphore(%run_scoped3A : memref<!tpu.dma_semaphore, #tpu.memory_space<semaphore_mem>>) src(%dma_wait3A_66 : memref<250x80xi32, #tpu.memory_space<hbm>>) dst(%arg8 : memref<250x80xi32, #tpu.memory_space<vmem>>)
      tpu.yield
    }) : () -> ()
    %scan3A_25 = arith.constant 0 : i32
    %scan3A_26 = arith.constant 0 : i32
    %scan3A_27 = arith.constant 250 : i32
    %scan3A_28 = arith.addi %scan3A_26, %scan3A_27 : i32
    %scan3A_29 = arith.constant 1 : i32
    %scan3A_30 = scf.for %scan3A_53 = %scan3A_26 to %scan3A_28 step %scan3A_29 iter_args(%scan3A_54 = %scan3A_25) -> (i32)  : i32 {
      %dma_start3A = arith.constant 0 : i32
      %dma_start3A_55 = tpu.memref_slice %arg7[%scan3A_53, %dma_start3A] : memref<250x80xi32, #tpu.memory_space<vmem>> -> memref<1x80xi32, #tpu.memory_space<vmem>>
      %dma_start3A_56 = tpu.memref_squeeze %dma_start3A_55 : memref<1x80xi32, #tpu.memory_space<vmem>> -> memref<80xi32, #tpu.memory_space<vmem>>
      %dma_start3A_57 = arith.constant 0 : i32
      %dma_start3A_58 = arith.constant 0 : i32
      %dma_start3A_59 = tpu.memref_slice %arg5[%arg0, %dma_start3A_57, %dma_start3A_58] : memref<2x10000x64xf32, #tpu.memory_space<hbm>> -> memref<1x10000x64xf32, #tpu.memory_space<hbm>>
      %dma_start3A_60 = tpu.memref_squeeze %dma_start3A_59 : memref<1x10000x64xf32, #tpu.memory_space<hbm>> -> memref<10000x64xf32, #tpu.memory_space<hbm>>
      %dma_start3A_61 = arith.constant 0 : i32
      %dma_start3A_62 = arith.constant 0 : i32
      %dma_start3A_63 = tpu.memref_slice %dma_start3A_60[%dma_start3A_61, %dma_start3A_62] : memref<10000x64xf32, #tpu.memory_space<hbm>> -> memref<10000x64xf32, #tpu.memory_space<hbm>>
      tpu.enqueue_indirect_dma source(%dma_start3A_63 : memref<10000x64xf32, #tpu.memory_space<hbm>>) target(%arg10 : memref<80x64xf32, #tpu.memory_space<vmem>>) offsets(%dma_start3A_56 : memref<80xi32, #tpu.memory_space<vmem>>) semaphore(%arg13 : memref<!tpu.dma_semaphore, #tpu.memory_space<semaphore_mem>>)
      %dma_wait3A = arith.constant 0 : i32
      %dma_wait3A_64 = tpu.memref_slice %arg7[%scan3A_53, %dma_wait3A] : memref<250x80xi32, #tpu.memory_space<vmem>> -> memref<1x80xi32, #tpu.memory_space<vmem>>
      %dma_wait3A_65 = tpu.memref_squeeze %dma_wait3A_64 : memref<1x80xi32, #tpu.memory_space<vmem>> -> memref<80xi32, #tpu.memory_space<vmem>>
      %dma_wait3A_66 = arith.constant 0 : i32
      %dma_wait3A_67 = arith.constant 0 : i32
      %dma_wait3A_68 = tpu.memref_slice %arg5[%arg0, %dma_wait3A_66, %dma_wait3A_67] : memref<2x10000x64xf32, #tpu.memory_space<hbm>> -> memref<1x10000x64xf32, #tpu.memory_space<hbm>>
      %dma_wait3A_69 = tpu.memref_squeeze %dma_wait3A_68 : memref<1x10000x64xf32, #tpu.memory_space<hbm>> -> memref<10000x64xf32, #tpu.memory_space<hbm>>
      %dma_wait3A_70 = arith.constant 0 : i32
      %dma_wait3A_71 = arith.constant 0 : i32
      %dma_wait3A_72 = tpu.memref_slice %dma_wait3A_69[%dma_wait3A_70, %dma_wait3A_71] : memref<10000x64xf32, #tpu.memory_space<hbm>> -> memref<10000x64xf32, #tpu.memory_space<hbm>>
      tpu.wait_indirect_dma semaphore(%arg13 : memref<!tpu.dma_semaphore, #tpu.memory_space<semaphore_mem>>) src(%dma_wait3A_72 : memref<10000x64xf32, #tpu.memory_space<hbm>>) dst(%arg10 : memref<80x64xf32, #tpu.memory_space<vmem>>)
      "tpu.region"() ({
        %run_scoped3A = tpu.sem_alloc : memref<!tpu.dma_semaphore, #tpu.memory_space<semaphore_mem>>
        %dma_start3A_81 = arith.constant 0 : i32
        %dma_start3A_82 = arith.constant 0 : i32
        %dma_start3A_83 = tpu.memref_slice %arg4[%arg1, %scan3A_53, %dma_start3A_81, %dma_start3A_82] : memref<16x250x80x16xf32, #tpu.memory_space<hbm>> -> memref<1x1x80x16xf32, #tpu.memory_space<hbm>>
        %dma_start3A_84 = tpu.memref_squeeze %dma_start3A_83 : memref<1x1x80x16xf32, #tpu.memory_space<hbm>> -> memref<80x16xf32, #tpu.memory_space<hbm>>
        %dma_start3A_85 = arith.constant 0 : i32
        %dma_start3A_86 = arith.constant 0 : i32
        %dma_start3A_87 = tpu.memref_slice %arg4[%arg1, %scan3A_53, %dma_start3A_85, %dma_start3A_86] : memref<16x250x80x16xf32, #tpu.memory_space<hbm>> -> memref<1x1x80x16xf32, #tpu.memory_space<hbm>>
        %dma_start3A_88 = tpu.memref_squeeze %dma_start3A_87 : memref<1x1x80x16xf32, #tpu.memory_space<hbm>> -> memref<80x16xf32, #tpu.memory_space<hbm>>
        tpu.enqueue_dma source(%dma_start3A_88 : memref<80x16xf32, #tpu.memory_space<hbm>>) target(%arg9 : memref<80x16xf32, #tpu.memory_space<vmem>>) target_semaphore(%run_scoped3A : memref<!tpu.dma_semaphore, #tpu.memory_space<semaphore_mem>>)
        %dma_wait3A_89 = arith.constant 0 : i32
        %dma_wait3A_90 = arith.constant 0 : i32
        %dma_wait3A_91 = tpu.memref_slice %arg4[%arg1, %scan3A_53, %dma_wait3A_89, %dma_wait3A_90] : memref<16x250x80x16xf32, #tpu.memory_space<hbm>> -> memref<1x1x80x16xf32, #tpu.memory_space<hbm>>
        %dma_wait3A_92 = tpu.memref_squeeze %dma_wait3A_91 : memref<1x1x80x16xf32, #tpu.memory_space<hbm>> -> memref<80x16xf32, #tpu.memory_space<hbm>>
        %dma_wait3A_93 = arith.constant 0 : i32
        %dma_wait3A_94 = arith.constant 0 : i32
        %dma_wait3A_95 = tpu.memref_slice %arg4[%arg1, %scan3A_53, %dma_wait3A_93, %dma_wait3A_94] : memref<16x250x80x16xf32, #tpu.memory_space<hbm>> -> memref<1x1x80x16xf32, #tpu.memory_space<hbm>>
        %dma_wait3A_96 = tpu.memref_squeeze %dma_wait3A_95 : memref<1x1x80x16xf32, #tpu.memory_space<hbm>> -> memref<80x16xf32, #tpu.memory_space<hbm>>
        tpu.wait_dma2 semaphore(%run_scoped3A : memref<!tpu.dma_semaphore, #tpu.memory_space<semaphore_mem>>) src(%dma_wait3A_96 : memref<80x16xf32, #tpu.memory_space<hbm>>) dst(%arg9 : memref<80x16xf32, #tpu.memory_space<vmem>>)
        tpu.yield
      }) : () -> ()
      %scan3A_73 = arith.constant 0 : i32
      %scan3A_74 = arith.constant 0 : i32
      %scan3A_75 = arith.constant 80 : i32
      %scan3A_76 = arith.addi %scan3A_74, %scan3A_75 : i32
      %scan3A_77 = arith.constant 1 : i32
      %scan3A_78 = scf.for %scan3A_81 = %scan3A_74 to %scan3A_76 step %scan3A_77 iter_args(%scan3A_82 = %scan3A_73) -> (i32)  : i32 {
        %get3A = arith.index_cast %scan3A_81 : i32 to index
        %get3A_83 = arith.constant 0 : index
        %get3A_84 = tpu.vector_load %arg9[%get3A, %get3A_83] {strides = array<i32>} : memref<80x16xf32, #tpu.memory_space<vmem>>, vector<1x16xf32>,
        %get3A_85 = vector.shape_cast %get3A_84 : vector<1x16xf32> to vector<16xf32>
        %get3A_86 = arith.index_cast %scan3A_81 : i32 to index
        %get3A_87 = arith.constant 0 : index
        %get3A_88 = tpu.vector_load %arg10[%get3A_86, %get3A_87] {strides = array<i32>} : memref<80x64xf32, #tpu.memory_space<vmem>>, vector<1x16xf32>,
        %get3A_89 = vector.shape_cast %get3A_88 : vector<1x16xf32> to vector<16xf32>
        %mul3A_90 = arith.mulf %get3A_89, %get3A_85 : vector<16xf32>
        %swap3A = arith.index_cast %scan3A_81 : i32 to index
        %swap3A_91 = arith.constant 0 : index
        %swap3A_92 = tpu.vector_load %arg10[%swap3A, %swap3A_91] {strides = array<i32>} : memref<80x64xf32, #tpu.memory_space<vmem>>, vector<1x16xf32>,
        %swap3A_93 = vector.shape_cast %swap3A_92 : vector<1x16xf32> to vector<16xf32>
        %swap3A_94 = vector.shape_cast %mul3A_90 : vector<16xf32> to vector<1x16xf32>
        tpu.vector_store %arg10[%swap3A, %swap3A_91], %swap3A_94 {strides = array<i32>} : memref<80x64xf32, #tpu.memory_space<vmem>>, vector<1x16xf32>,
        %get3A_95 = arith.index_cast %scan3A_81 : i32 to index
        %get3A_96 = arith.constant 16 : index
        %get3A_97 = tpu.vector_load %arg10[%get3A_95, %get3A_96] {strides = array<i32>} : memref<80x64xf32, #tpu.memory_space<vmem>>, vector<1x16xf32>,
        %get3A_98 = vector.shape_cast %get3A_97 : vector<1x16xf32> to vector<16xf32>
        %mul3A_99 = arith.mulf %get3A_98, %get3A_85 : vector<16xf32>
        %swap3A_100 = arith.index_cast %scan3A_81 : i32 to index
        %swap3A_101 = arith.constant 16 : index
        %swap3A_102 = tpu.vector_load %arg10[%swap3A_100, %swap3A_101] {strides = array<i32>} : memref<80x64xf32, #tpu.memory_space<vmem>>, vector<1x16xf32>,
        %swap3A_103 = vector.shape_cast %swap3A_102 : vector<1x16xf32> to vector<16xf32>
        %swap3A_104 = vector.shape_cast %mul3A_99 : vector<16xf32> to vector<1x16xf32>
        tpu.vector_store %arg10[%swap3A_100, %swap3A_101], %swap3A_104 {strides = array<i32>} : memref<80x64xf32, #tpu.memory_space<vmem>>, vector<1x16xf32>,
        %get3A_105 = arith.index_cast %scan3A_81 : i32 to index
        %get3A_106 = arith.constant 32 : index
        %get3A_107 = tpu.vector_load %arg10[%get3A_105, %get3A_106] {strides = array<i32>} : memref<80x64xf32, #tpu.memory_space<vmem>>, vector<1x16xf32>,
        %get3A_108 = vector.shape_cast %get3A_107 : vector<1x16xf32> to vector<16xf32>
        %mul3A_109 = arith.mulf %get3A_108, %get3A_85 : vector<16xf32>
        %swap3A_110 = arith.index_cast %scan3A_81 : i32 to index
        %swap3A_111 = arith.constant 32 : index
        %swap3A_112 = tpu.vector_load %arg10[%swap3A_110, %swap3A_111] {strides = array<i32>} : memref<80x64xf32, #tpu.memory_space<vmem>>, vector<1x16xf32>,
        %swap3A_113 = vector.shape_cast %swap3A_112 : vector<1x16xf32> to vector<16xf32>
        %swap3A_114 = vector.shape_cast %mul3A_109 : vector<16xf32> to vector<1x16xf32>
        tpu.vector_store %arg10[%swap3A_110, %swap3A_111], %swap3A_114 {strides = array<i32>} : memref<80x64xf32, #tpu.memory_space<vmem>>, vector<1x16xf32>,
        %get3A_115 = arith.index_cast %scan3A_81 : i32 to index
        %get3A_116 = arith.constant 48 : index
        %get3A_117 = tpu.vector_load %arg10[%get3A_115, %get3A_116] {strides = array<i32>} : memref<80x64xf32, #tpu.memory_space<vmem>>, vector<1x16xf32>,
        %get3A_118 = vector.shape_cast %get3A_117 : vector<1x16xf32> to vector<16xf32>
        %mul3A_119 = arith.mulf %get3A_118, %get3A_85 : vector<16xf32>
        %swap3A_120 = arith.index_cast %scan3A_81 : i32 to index
        %swap3A_121 = arith.constant 48 : index
        %swap3A_122 = tpu.vector_load %arg10[%swap3A_120, %swap3A_121] {strides = array<i32>} : memref<80x64xf32, #tpu.memory_space<vmem>>, vector<1x16xf32>,
        %swap3A_123 = vector.shape_cast %swap3A_122 : vector<1x16xf32> to vector<16xf32>
        %swap3A_124 = vector.shape_cast %mul3A_119 : vector<16xf32> to vector<1x16xf32>
        tpu.vector_store %arg10[%swap3A_120, %swap3A_121], %swap3A_124 {strides = array<i32>} : memref<80x64xf32, #tpu.memory_space<vmem>>, vector<1x16xf32>,
        %scan3A_125 = arith.constant 0 : i32
        scf.yield %scan3A_125 : i32
      }
      %scan3A_79 = arith.constant 80 : i32
      "tpu.region"() ({
        %run_scoped3A = tpu.sem_alloc : memref<!tpu.dma_semaphore, #tpu.memory_space<semaphore_mem>>
        %dma_start3A_81 = arith.constant 0 : i32
        %dma_start3A_82 = tpu.memref_slice %arg8[%scan3A_53, %dma_start3A_81] : memref<250x80xi32, #tpu.memory_space<vmem>> -> memref<1x80xi32, #tpu.memory_space<vmem>>
        %dma_start3A_83 = tpu.memref_squeeze %dma_start3A_82 : memref<1x80xi32, #tpu.memory_space<vmem>> -> memref<80xi32, #tpu.memory_space<vmem>>
        %dma_start3A_84 = arith.constant 0 : i32
        %dma_start3A_85 = arith.constant 0 : i32
        %dma_start3A_86 = tpu.memref_slice %arg12[%dma_start3A_84, %dma_start3A_85] : memref<10240x64xf32, #tpu.memory_space<vmem_shared>> -> memref<10240x64xf32, #tpu.memory_space<vmem_shared>>
        tpu.enqueue_indirect_dma source(%arg10 : memref<80x64xf32, #tpu.memory_space<vmem>>) target(%dma_start3A_86 : memref<10240x64xf32, #tpu.memory_space<vmem_shared>>) offsets(%dma_start3A_83 : memref<80xi32, #tpu.memory_space<vmem>>) semaphore(%run_scoped3A : memref<!tpu.dma_semaphore, #tpu.memory_space<semaphore_mem>>) {add = true}
        %dma_wait3A_87 = arith.constant 0 : i32
        %dma_wait3A_88 = tpu.memref_slice %arg8[%scan3A_53, %dma_wait3A_87] : memref<250x80xi32, #tpu.memory_space<vmem>> -> memref<1x80xi32, #tpu.memory_space<vmem>>
        %dma_wait3A_89 = tpu.memref_squeeze %dma_wait3A_88 : memref<1x80xi32, #tpu.memory_space<vmem>> -> memref<80xi32, #tpu.memory_space<vmem>>
        %dma_wait3A_90 = arith.constant 0 : i32
        %dma_wait3A_91 = arith.constant 0 : i32
        %dma_wait3A_92 = tpu.memref_slice %arg12[%dma_wait3A_90, %dma_wait3A_91] : memref<10240x64xf32, #tpu.memory_space<vmem_shared>> -> memref<10240x64xf32, #tpu.memory_space<vmem_shared>>
        tpu.wait_indirect_dma semaphore(%run_scoped3A : memref<!tpu.dma_semaphore, #tpu.memory_space<semaphore_mem>>) src(%arg10 : memref<80x64xf32, #tpu.memory_space<vmem>>) dst(%dma_wait3A_92 : memref<10240x64xf32, #tpu.memory_space<vmem_shared>>)
        tpu.yield
      }) : () -> ()
      %scan3A_80 = arith.constant 0 : i32
      scf.yield %scan3A_80 : i32
    }
    %scan3A_31 = arith.constant 250 : i32
    %barrier3A_32 = arith.constant 0 : index
    tpu.barrier barrier_id(%barrier3A_32)
    %mul3A_33 = arith.constant 640 : i32
    %mul3A_34 = arith.muli %arg1, %mul3A_33 : i32
    %add3A_35 = arith.constant 0 : i32
    %add3A_36 = arith.addi %mul3A_34, %add3A_35 : i32
    "tpu.region"() ({
      %run_scoped3A = tpu.sem_alloc : memref<!tpu.dma_semaphore, #tpu.memory_space<semaphore_mem>>
      %dma_start3A = arith.constant 0 : i32
      %dma_start3A_53 = tpu.memref_slice %arg6[%arg0, %add3A_36, %dma_start3A] : memref<2x10240x64xf32, #tpu.memory_space<hbm>> -> memref<1x128x64xf32, #tpu.memory_space<hbm>>
      %dma_start3A_54 = tpu.memref_squeeze %dma_start3A_53 : memref<1x128x64xf32, #tpu.memory_space<hbm>> -> memref<128x64xf32, #tpu.memory_space<hbm>>
      %dma_start3A_55 = arith.constant 0 : i32
      %dma_start3A_56 = tpu.memref_slice %arg12[%add3A_36, %dma_start3A_55] : memref<10240x64xf32, #tpu.memory_space<vmem_shared>> -> memref<128x64xf32, #tpu.memory_space<vmem_shared>>
      tpu.enqueue_dma source(%dma_start3A_56 : memref<128x64xf32, #tpu.memory_space<vmem_shared>>) target(%dma_start3A_54 : memref<128x64xf32, #tpu.memory_space<hbm>>) target_semaphore(%run_scoped3A : memref<!tpu.dma_semaphore, #tpu.memory_space<semaphore_mem>>)
      %dma_wait3A = arith.constant 0 : i32
      %dma_wait3A_57 = tpu.memref_slice %arg6[%arg0, %add3A_36, %dma_wait3A] : memref<2x10240x64xf32, #tpu.memory_space<hbm>> -> memref<1x128x64xf32, #tpu.memory_space<hbm>>
      %dma_wait3A_58 = tpu.memref_squeeze %dma_wait3A_57 : memref<1x128x64xf32, #tpu.memory_space<hbm>> -> memref<128x64xf32, #tpu.memory_space<hbm>>
      %dma_wait3A_59 = arith.constant 0 : i32
      %dma_wait3A_60 = tpu.memref_slice %arg12[%add3A_36, %dma_wait3A_59] : memref<10240x64xf32, #tpu.memory_space<vmem_shared>> -> memref<128x64xf32, #tpu.memory_space<vmem_shared>>
      tpu.wait_dma2 semaphore(%run_scoped3A : memref<!tpu.dma_semaphore, #tpu.memory_space<semaphore_mem>>) src(%dma_wait3A_60 : memref<128x64xf32, #tpu.memory_space<vmem_shared>>) dst(%dma_wait3A_58 : memref<128x64xf32, #tpu.memory_space<hbm>>)
      tpu.yield
    }) : () -> ()
    %mul3A_37 = arith.constant 640 : i32
    %mul3A_38 = arith.muli %arg1, %mul3A_37 : i32
    %add3A_39 = arith.constant 128 : i32
    %add3A_40 = arith.addi %mul3A_38, %add3A_39 : i32
    "tpu.region"() ({
      %run_scoped3A = tpu.sem_alloc : memref<!tpu.dma_semaphore, #tpu.memory_space<semaphore_mem>>
      %dma_start3A = arith.constant 0 : i32
      %dma_start3A_53 = tpu.memref_slice %arg6[%arg0, %add3A_40, %dma_start3A] : memref<2x10240x64xf32, #tpu.memory_space<hbm>> -> memref<1x128x64xf32, #tpu.memory_space<hbm>>
      %dma_start3A_54 = tpu.memref_squeeze %dma_start3A_53 : memref<1x128x64xf32, #tpu.memory_space<hbm>> -> memref<128x64xf32, #tpu.memory_space<hbm>>
      %dma_start3A_55 = arith.constant 0 : i32
      %dma_start3A_56 = tpu.memref_slice %arg12[%add3A_40, %dma_start3A_55] : memref<10240x64xf32, #tpu.memory_space<vmem_shared>> -> memref<128x64xf32, #tpu.memory_space<vmem_shared>>
      tpu.enqueue_dma source(%dma_start3A_56 : memref<128x64xf32, #tpu.memory_space<vmem_shared>>) target(%dma_start3A_54 : memref<128x64xf32, #tpu.memory_space<hbm>>) target_semaphore(%run_scoped3A : memref<!tpu.dma_semaphore, #tpu.memory_space<semaphore_mem>>)
      %dma_wait3A = arith.constant 0 : i32
      %dma_wait3A_57 = tpu.memref_slice %arg6[%arg0, %add3A_40, %dma_wait3A] : memref<2x10240x64xf32, #tpu.memory_space<hbm>> -> memref<1x128x64xf32, #tpu.memory_space<hbm>>
      %dma_wait3A_58 = tpu.memref_squeeze %dma_wait3A_57 : memref<1x128x64xf32, #tpu.memory_space<hbm>> -> memref<128x64xf32, #tpu.memory_space<hbm>>
      %dma_wait3A_59 = arith.constant 0 : i32
      %dma_wait3A_60 = tpu.memref_slice %arg12[%add3A_40, %dma_wait3A_59] : memref<10240x64xf32, #tpu.memory_space<vmem_shared>> -> memref<128x64xf32, #tpu.memory_space<vmem_shared>>
      tpu.wait_dma2 semaphore(%run_scoped3A : memref<!tpu.dma_semaphore, #tpu.memory_space<semaphore_mem>>) src(%dma_wait3A_60 : memref<128x64xf32, #tpu.memory_space<vmem_shared>>) dst(%dma_wait3A_58 : memref<128x64xf32, #tpu.memory_space<hbm>>)
      tpu.yield
    }) : () -> ()
    %mul3A_41 = arith.constant 640 : i32
    %mul3A_42 = arith.muli %arg1, %mul3A_41 : i32
    %add3A_43 = arith.constant 256 : i32
    %add3A_44 = arith.addi %mul3A_42, %add3A_43 : i32
    "tpu.region"() ({
      %run_scoped3A = tpu.sem_alloc : memref<!tpu.dma_semaphore, #tpu.memory_space<semaphore_mem>>
      %dma_start3A = arith.constant 0 : i32
      %dma_start3A_53 = tpu.memref_slice %arg6[%arg0, %add3A_44, %dma_start3A] : memref<2x10240x64xf32, #tpu.memory_space<hbm>> -> memref<1x128x64xf32, #tpu.memory_space<hbm>>
      %dma_start3A_54 = tpu.memref_squeeze %dma_start3A_53 : memref<1x128x64xf32, #tpu.memory_space<hbm>> -> memref<128x64xf32, #tpu.memory_space<hbm>>
      %dma_start3A_55 = arith.constant 0 : i32
      %dma_start3A_56 = tpu.memref_slice %arg12[%add3A_44, %dma_start3A_55] : memref<10240x64xf32, #tpu.memory_space<vmem_shared>> -> memref<128x64xf32, #tpu.memory_space<vmem_shared>>
      tpu.enqueue_dma source(%dma_start3A_56 : memref<128x64xf32, #tpu.memory_space<vmem_shared>>) target(%dma_start3A_54 : memref<128x64xf32, #tpu.memory_space<hbm>>) target_semaphore(%run_scoped3A : memref<!tpu.dma_semaphore, #tpu.memory_space<semaphore_mem>>)
      %dma_wait3A = arith.constant 0 : i32
      %dma_wait3A_57 = tpu.memref_slice %arg6[%arg0, %add3A_44, %dma_wait3A] : memref<2x10240x64xf32, #tpu.memory_space<hbm>> -> memref<1x128x64xf32, #tpu.memory_space<hbm>>
      %dma_wait3A_58 = tpu.memref_squeeze %dma_wait3A_57 : memref<1x128x64xf32, #tpu.memory_space<hbm>> -> memref<128x64xf32, #tpu.memory_space<hbm>>
      %dma_wait3A_59 = arith.constant 0 : i32
      %dma_wait3A_60 = tpu.memref_slice %arg12[%add3A_44, %dma_wait3A_59] : memref<10240x64xf32, #tpu.memory_space<vmem_shared>> -> memref<128x64xf32, #tpu.memory_space<vmem_shared>>
      tpu.wait_dma2 semaphore(%run_scoped3A : memref<!tpu.dma_semaphore, #tpu.memory_space<semaphore_mem>>) src(%dma_wait3A_60 : memref<128x64xf32, #tpu.memory_space<vmem_shared>>) dst(%dma_wait3A_58 : memref<128x64xf32, #tpu.memory_space<hbm>>)
      tpu.yield
    }) : () -> ()
    %mul3A_45 = arith.constant 640 : i32
    %mul3A_46 = arith.muli %arg1, %mul3A_45 : i32
    %add3A_47 = arith.constant 384 : i32
    %add3A_48 = arith.addi %mul3A_46, %add3A_47 : i32
    "tpu.region"() ({
      %run_scoped3A = tpu.sem_alloc : memref<!tpu.dma_semaphore, #tpu.memory_space<semaphore_mem>>
      %dma_start3A = arith.constant 0 : i32
      %dma_start3A_53 = tpu.memref_slice %arg6[%arg0, %add3A_48, %dma_start3A] : memref<2x10240x64xf32, #tpu.memory_space<hbm>> -> memref<1x128x64xf32, #tpu.memory_space<hbm>>
      %dma_start3A_54 = tpu.memref_squeeze %dma_start3A_53 : memref<1x128x64xf32, #tpu.memory_space<hbm>> -> memref<128x64xf32, #tpu.memory_space<hbm>>
      %dma_start3A_55 = arith.constant 0 : i32
      %dma_start3A_56 = tpu.memref_slice %arg12[%add3A_48, %dma_start3A_55] : memref<10240x64xf32, #tpu.memory_space<vmem_shared>> -> memref<128x64xf32, #tpu.memory_space<vmem_shared>>
      tpu.enqueue_dma source(%dma_start3A_56 : memref<128x64xf32, #tpu.memory_space<vmem_shared>>) target(%dma_start3A_54 : memref<128x64xf32, #tpu.memory_space<hbm>>) target_semaphore(%run_scoped3A : memref<!tpu.dma_semaphore, #tpu.memory_space<semaphore_mem>>)
      %dma_wait3A = arith.constant 0 : i32
      %dma_wait3A_57 = tpu.memref_slice %arg6[%arg0, %add3A_48, %dma_wait3A] : memref<2x10240x64xf32, #tpu.memory_space<hbm>> -> memref<1x128x64xf32, #tpu.memory_space<hbm>>
      %dma_wait3A_58 = tpu.memref_squeeze %dma_wait3A_57 : memref<1x128x64xf32, #tpu.memory_space<hbm>> -> memref<128x64xf32, #tpu.memory_space<hbm>>
      %dma_wait3A_59 = arith.constant 0 : i32
      %dma_wait3A_60 = tpu.memref_slice %arg12[%add3A_48, %dma_wait3A_59] : memref<10240x64xf32, #tpu.memory_space<vmem_shared>> -> memref<128x64xf32, #tpu.memory_space<vmem_shared>>
      tpu.wait_dma2 semaphore(%run_scoped3A : memref<!tpu.dma_semaphore, #tpu.memory_space<semaphore_mem>>) src(%dma_wait3A_60 : memref<128x64xf32, #tpu.memory_space<vmem_shared>>) dst(%dma_wait3A_58 : memref<128x64xf32, #tpu.memory_space<hbm>>)
      tpu.yield
    }) : () -> ()
    %mul3A_49 = arith.constant 640 : i32
    %mul3A_50 = arith.muli %arg1, %mul3A_49 : i32
    %add3A_51 = arith.constant 512 : i32
    %add3A_52 = arith.addi %mul3A_50, %add3A_51 : i32
    "tpu.region"() ({
      %run_scoped3A = tpu.sem_alloc : memref<!tpu.dma_semaphore, #tpu.memory_space<semaphore_mem>>
      %dma_start3A = arith.constant 0 : i32
      %dma_start3A_53 = tpu.memref_slice %arg6[%arg0, %add3A_52, %dma_start3A] : memref<2x10240x64xf32, #tpu.memory_space<hbm>> -> memref<1x128x64xf32, #tpu.memory_space<hbm>>
      %dma_start3A_54 = tpu.memref_squeeze %dma_start3A_53 : memref<1x128x64xf32, #tpu.memory_space<hbm>> -> memref<128x64xf32, #tpu.memory_space<hbm>>
      %dma_start3A_55 = arith.constant 0 : i32
      %dma_start3A_56 = tpu.memref_slice %arg12[%add3A_52, %dma_start3A_55] : memref<10240x64xf32, #tpu.memory_space<vmem_shared>> -> memref<128x64xf32, #tpu.memory_space<vmem_shared>>
      tpu.enqueue_dma source(%dma_start3A_56 : memref<128x64xf32, #tpu.memory_space<vmem_shared>>) target(%dma_start3A_54 : memref<128x64xf32, #tpu.memory_space<hbm>>) target_semaphore(%run_scoped3A : memref<!tpu.dma_semaphore, #tpu.memory_space<semaphore_mem>>)
      %dma_wait3A = arith.constant 0 : i32
      %dma_wait3A_57 = tpu.memref_slice %arg6[%arg0, %add3A_52, %dma_wait3A] : memref<2x10240x64xf32, #tpu.memory_space<hbm>> -> memref<1x128x64xf32, #tpu.memory_space<hbm>>
      %dma_wait3A_58 = tpu.memref_squeeze %dma_wait3A_57 : memref<1x128x64xf32, #tpu.memory_space<hbm>> -> memref<128x64xf32, #tpu.memory_space<hbm>>
      %dma_wait3A_59 = arith.constant 0 : i32
      %dma_wait3A_60 = tpu.memref_slice %arg12[%add3A_52, %dma_wait3A_59] : memref<10240x64xf32, #tpu.memory_space<vmem_shared>> -> memref<128x64xf32, #tpu.memory_space<vmem_shared>>
      tpu.wait_dma2 semaphore(%run_scoped3A : memref<!tpu.dma_semaphore, #tpu.memory_space<semaphore_mem>>) src(%dma_wait3A_60 : memref<128x64xf32, #tpu.memory_space<vmem_shared>>) dst(%dma_wait3A_58 : memref<128x64xf32, #tpu.memory_space<hbm>>)
      tpu.yield
    }) : () -> ()
    return
  }
}

#map = affine_map<(d0, d1) -> (0, 0, 0)>
#map1 = affine_map<(d0, d1) -> (0, 0, 0, 0)>
module attributes {stable_mosaic.version = 14 : i64} {
  func.func @_sc_edge_scatter(%arg0: i32, %arg1: i32, %arg2: memref<32x125x80xi32, #tpu.memory_space<hbm>>, %arg3: memref<32x125x80x16xf32, #tpu.memory_space<hbm>>, %arg4: memref<32x125x80x16xf32, #tpu.memory_space<hbm>>, %arg5: memref<2x10240x32xf32, #tpu.memory_space<hbm>>, %arg6: memref<125x80xi32, #tpu.memory_space<vmem>>, %arg7: memref<80x16xf32, #tpu.memory_space<vmem>>, %arg8: memref<80x16xf32, #tpu.memory_space<vmem>>, %arg9: memref<80x32xf32, #tpu.memory_space<vmem>>, %arg10: memref<128x32xf32, #tpu.memory_space<vmem>>, %arg11: memref<10240x32xf32, #tpu.memory_space<vmem_shared>>) attributes {dimension_semantics = [#tpu.dimension_semantics<core_parallel>, #tpu.dimension_semantics<subcore_parallel>], iteration_bounds = array<i64: 2, 16>, scalar_prefetch = 0 : i64, scratch_operands = 6 : i64, tpu.core_type = #tpu.core_type<sc_vector_subcore>, window_params = [{transform_indices = #map}, {transform_indices = #map1}, {transform_indices = #map1}, {transform_indices = #map}]} {
    %mul3A = arith.constant 16 : i32
    %mul3A_0 = arith.muli %arg0, %mul3A : i32
    %add3A = arith.addi %mul3A_0, %arg1 : i32
    %broadcast_in_dim3A = arith.constant 0.000000e+00 : f32
    %broadcast_in_dim3A_1 = vector.broadcast %broadcast_in_dim3A : f32 to vector<16xf32>
    %scan3A = arith.constant 0 : i32
    %scan3A_2 = arith.constant 0 : i32
    %scan3A_3 = arith.constant 128 : i32
    %scan3A_4 = arith.addi %scan3A_2, %scan3A_3 : i32
    %scan3A_5 = arith.constant 1 : i32
    %scan3A_6 = scf.for %scan3A_61 = %scan3A_2 to %scan3A_4 step %scan3A_5 iter_args(%scan3A_62 = %scan3A) -> (i32)  : i32 {
      %swap3A = arith.index_cast %scan3A_61 : i32 to index
      %swap3A_63 = arith.constant 0 : index
      %swap3A_64 = tpu.vector_load %arg10[%swap3A, %swap3A_63] {strides = array<i32>} : memref<128x32xf32, #tpu.memory_space<vmem>>, vector<1x16xf32>,
      %swap3A_65 = vector.shape_cast %swap3A_64 : vector<1x16xf32> to vector<16xf32>
      %swap3A_66 = vector.shape_cast %broadcast_in_dim3A_1 : vector<16xf32> to vector<1x16xf32>
      tpu.vector_store %arg10[%swap3A, %swap3A_63], %swap3A_66 {strides = array<i32>} : memref<128x32xf32, #tpu.memory_space<vmem>>, vector<1x16xf32>,
      %swap3A_67 = arith.index_cast %scan3A_61 : i32 to index
      %swap3A_68 = arith.constant 16 : index
      %swap3A_69 = tpu.vector_load %arg10[%swap3A_67, %swap3A_68] {strides = array<i32>} : memref<128x32xf32, #tpu.memory_space<vmem>>, vector<1x16xf32>,
      %swap3A_70 = vector.shape_cast %swap3A_69 : vector<1x16xf32> to vector<16xf32>
      %swap3A_71 = vector.shape_cast %broadcast_in_dim3A_1 : vector<16xf32> to vector<1x16xf32>
      tpu.vector_store %arg10[%swap3A_67, %swap3A_68], %swap3A_71 {strides = array<i32>} : memref<128x32xf32, #tpu.memory_space<vmem>>, vector<1x16xf32>,
      %scan3A_72 = arith.constant 0 : i32
      scf.yield %scan3A_72 : i32
    }
    %scan3A_7 = arith.constant 128 : i32
    %mul3A_8 = arith.constant 640 : i32
    %mul3A_9 = arith.muli %arg1, %mul3A_8 : i32
    %add3A_10 = arith.constant 0 : i32
    %add3A_11 = arith.addi %mul3A_9, %add3A_10 : i32
    "tpu.region"() ({
      %run_scoped3A = tpu.sem_alloc : memref<!tpu.dma_semaphore, #tpu.memory_space<semaphore_mem>>
      %dma_start3A = arith.constant 0 : i32
      %dma_start3A_61 = tpu.memref_slice %arg11[%add3A_11, %dma_start3A] : memref<10240x32xf32, #tpu.memory_space<vmem_shared>> -> memref<128x32xf32, #tpu.memory_space<vmem_shared>>
      %dma_start3A_62 = arith.constant 0 : i32
      %dma_start3A_63 = tpu.memref_slice %arg11[%add3A_11, %dma_start3A_62] : memref<10240x32xf32, #tpu.memory_space<vmem_shared>> -> memref<128x32xf32, #tpu.memory_space<vmem_shared>>
      tpu.enqueue_dma source(%arg10 : memref<128x32xf32, #tpu.memory_space<vmem>>) target(%dma_start3A_63 : memref<128x32xf32, #tpu.memory_space<vmem_shared>>) target_semaphore(%run_scoped3A : memref<!tpu.dma_semaphore, #tpu.memory_space<semaphore_mem>>)
      %dma_wait3A = arith.constant 0 : i32
      %dma_wait3A_64 = tpu.memref_slice %arg11[%add3A_11, %dma_wait3A] : memref<10240x32xf32, #tpu.memory_space<vmem_shared>> -> memref<128x32xf32, #tpu.memory_space<vmem_shared>>
      %dma_wait3A_65 = arith.constant 0 : i32
      %dma_wait3A_66 = tpu.memref_slice %arg11[%add3A_11, %dma_wait3A_65] : memref<10240x32xf32, #tpu.memory_space<vmem_shared>> -> memref<128x32xf32, #tpu.memory_space<vmem_shared>>
      tpu.wait_dma2 semaphore(%run_scoped3A : memref<!tpu.dma_semaphore, #tpu.memory_space<semaphore_mem>>) src(%arg10 : memref<128x32xf32, #tpu.memory_space<vmem>>) dst(%dma_wait3A_66 : memref<128x32xf32, #tpu.memory_space<vmem_shared>>)
      tpu.yield
    }) : () -> ()
    %mul3A_12 = arith.constant 640 : i32
    %mul3A_13 = arith.muli %arg1, %mul3A_12 : i32
    %add3A_14 = arith.constant 128 : i32
    %add3A_15 = arith.addi %mul3A_13, %add3A_14 : i32
    "tpu.region"() ({
      %run_scoped3A = tpu.sem_alloc : memref<!tpu.dma_semaphore, #tpu.memory_space<semaphore_mem>>
      %dma_start3A = arith.constant 0 : i32
      %dma_start3A_61 = tpu.memref_slice %arg11[%add3A_15, %dma_start3A] : memref<10240x32xf32, #tpu.memory_space<vmem_shared>> -> memref<128x32xf32, #tpu.memory_space<vmem_shared>>
      %dma_start3A_62 = arith.constant 0 : i32
      %dma_start3A_63 = tpu.memref_slice %arg11[%add3A_15, %dma_start3A_62] : memref<10240x32xf32, #tpu.memory_space<vmem_shared>> -> memref<128x32xf32, #tpu.memory_space<vmem_shared>>
      tpu.enqueue_dma source(%arg10 : memref<128x32xf32, #tpu.memory_space<vmem>>) target(%dma_start3A_63 : memref<128x32xf32, #tpu.memory_space<vmem_shared>>) target_semaphore(%run_scoped3A : memref<!tpu.dma_semaphore, #tpu.memory_space<semaphore_mem>>)
      %dma_wait3A = arith.constant 0 : i32
      %dma_wait3A_64 = tpu.memref_slice %arg11[%add3A_15, %dma_wait3A] : memref<10240x32xf32, #tpu.memory_space<vmem_shared>> -> memref<128x32xf32, #tpu.memory_space<vmem_shared>>
      %dma_wait3A_65 = arith.constant 0 : i32
      %dma_wait3A_66 = tpu.memref_slice %arg11[%add3A_15, %dma_wait3A_65] : memref<10240x32xf32, #tpu.memory_space<vmem_shared>> -> memref<128x32xf32, #tpu.memory_space<vmem_shared>>
      tpu.wait_dma2 semaphore(%run_scoped3A : memref<!tpu.dma_semaphore, #tpu.memory_space<semaphore_mem>>) src(%arg10 : memref<128x32xf32, #tpu.memory_space<vmem>>) dst(%dma_wait3A_66 : memref<128x32xf32, #tpu.memory_space<vmem_shared>>)
      tpu.yield
    }) : () -> ()
    %mul3A_16 = arith.constant 640 : i32
    %mul3A_17 = arith.muli %arg1, %mul3A_16 : i32
    %add3A_18 = arith.constant 256 : i32
    %add3A_19 = arith.addi %mul3A_17, %add3A_18 : i32
    "tpu.region"() ({
      %run_scoped3A = tpu.sem_alloc : memref<!tpu.dma_semaphore, #tpu.memory_space<semaphore_mem>>
      %dma_start3A = arith.constant 0 : i32
      %dma_start3A_61 = tpu.memref_slice %arg11[%add3A_19, %dma_start3A] : memref<10240x32xf32, #tpu.memory_space<vmem_shared>> -> memref<128x32xf32, #tpu.memory_space<vmem_shared>>
      %dma_start3A_62 = arith.constant 0 : i32
      %dma_start3A_63 = tpu.memref_slice %arg11[%add3A_19, %dma_start3A_62] : memref<10240x32xf32, #tpu.memory_space<vmem_shared>> -> memref<128x32xf32, #tpu.memory_space<vmem_shared>>
      tpu.enqueue_dma source(%arg10 : memref<128x32xf32, #tpu.memory_space<vmem>>) target(%dma_start3A_63 : memref<128x32xf32, #tpu.memory_space<vmem_shared>>) target_semaphore(%run_scoped3A : memref<!tpu.dma_semaphore, #tpu.memory_space<semaphore_mem>>)
      %dma_wait3A = arith.constant 0 : i32
      %dma_wait3A_64 = tpu.memref_slice %arg11[%add3A_19, %dma_wait3A] : memref<10240x32xf32, #tpu.memory_space<vmem_shared>> -> memref<128x32xf32, #tpu.memory_space<vmem_shared>>
      %dma_wait3A_65 = arith.constant 0 : i32
      %dma_wait3A_66 = tpu.memref_slice %arg11[%add3A_19, %dma_wait3A_65] : memref<10240x32xf32, #tpu.memory_space<vmem_shared>> -> memref<128x32xf32, #tpu.memory_space<vmem_shared>>
      tpu.wait_dma2 semaphore(%run_scoped3A : memref<!tpu.dma_semaphore, #tpu.memory_space<semaphore_mem>>) src(%arg10 : memref<128x32xf32, #tpu.memory_space<vmem>>) dst(%dma_wait3A_66 : memref<128x32xf32, #tpu.memory_space<vmem_shared>>)
      tpu.yield
    }) : () -> ()
    %mul3A_20 = arith.constant 640 : i32
    %mul3A_21 = arith.muli %arg1, %mul3A_20 : i32
    %add3A_22 = arith.constant 384 : i32
    %add3A_23 = arith.addi %mul3A_21, %add3A_22 : i32
    "tpu.region"() ({
      %run_scoped3A = tpu.sem_alloc : memref<!tpu.dma_semaphore, #tpu.memory_space<semaphore_mem>>
      %dma_start3A = arith.constant 0 : i32
      %dma_start3A_61 = tpu.memref_slice %arg11[%add3A_23, %dma_start3A] : memref<10240x32xf32, #tpu.memory_space<vmem_shared>> -> memref<128x32xf32, #tpu.memory_space<vmem_shared>>
      %dma_start3A_62 = arith.constant 0 : i32
      %dma_start3A_63 = tpu.memref_slice %arg11[%add3A_23, %dma_start3A_62] : memref<10240x32xf32, #tpu.memory_space<vmem_shared>> -> memref<128x32xf32, #tpu.memory_space<vmem_shared>>
      tpu.enqueue_dma source(%arg10 : memref<128x32xf32, #tpu.memory_space<vmem>>) target(%dma_start3A_63 : memref<128x32xf32, #tpu.memory_space<vmem_shared>>) target_semaphore(%run_scoped3A : memref<!tpu.dma_semaphore, #tpu.memory_space<semaphore_mem>>)
      %dma_wait3A = arith.constant 0 : i32
      %dma_wait3A_64 = tpu.memref_slice %arg11[%add3A_23, %dma_wait3A] : memref<10240x32xf32, #tpu.memory_space<vmem_shared>> -> memref<128x32xf32, #tpu.memory_space<vmem_shared>>
      %dma_wait3A_65 = arith.constant 0 : i32
      %dma_wait3A_66 = tpu.memref_slice %arg11[%add3A_23, %dma_wait3A_65] : memref<10240x32xf32, #tpu.memory_space<vmem_shared>> -> memref<128x32xf32, #tpu.memory_space<vmem_shared>>
      tpu.wait_dma2 semaphore(%run_scoped3A : memref<!tpu.dma_semaphore, #tpu.memory_space<semaphore_mem>>) src(%arg10 : memref<128x32xf32, #tpu.memory_space<vmem>>) dst(%dma_wait3A_66 : memref<128x32xf32, #tpu.memory_space<vmem_shared>>)
      tpu.yield
    }) : () -> ()
    %mul3A_24 = arith.constant 640 : i32
    %mul3A_25 = arith.muli %arg1, %mul3A_24 : i32
    %add3A_26 = arith.constant 512 : i32
    %add3A_27 = arith.addi %mul3A_25, %add3A_26 : i32
    "tpu.region"() ({
      %run_scoped3A = tpu.sem_alloc : memref<!tpu.dma_semaphore, #tpu.memory_space<semaphore_mem>>
      %dma_start3A = arith.constant 0 : i32
      %dma_start3A_61 = tpu.memref_slice %arg11[%add3A_27, %dma_start3A] : memref<10240x32xf32, #tpu.memory_space<vmem_shared>> -> memref<128x32xf32, #tpu.memory_space<vmem_shared>>
      %dma_start3A_62 = arith.constant 0 : i32
      %dma_start3A_63 = tpu.memref_slice %arg11[%add3A_27, %dma_start3A_62] : memref<10240x32xf32, #tpu.memory_space<vmem_shared>> -> memref<128x32xf32, #tpu.memory_space<vmem_shared>>
      tpu.enqueue_dma source(%arg10 : memref<128x32xf32, #tpu.memory_space<vmem>>) target(%dma_start3A_63 : memref<128x32xf32, #tpu.memory_space<vmem_shared>>) target_semaphore(%run_scoped3A : memref<!tpu.dma_semaphore, #tpu.memory_space<semaphore_mem>>)
      %dma_wait3A = arith.constant 0 : i32
      %dma_wait3A_64 = tpu.memref_slice %arg11[%add3A_27, %dma_wait3A] : memref<10240x32xf32, #tpu.memory_space<vmem_shared>> -> memref<128x32xf32, #tpu.memory_space<vmem_shared>>
      %dma_wait3A_65 = arith.constant 0 : i32
      %dma_wait3A_66 = tpu.memref_slice %arg11[%add3A_27, %dma_wait3A_65] : memref<10240x32xf32, #tpu.memory_space<vmem_shared>> -> memref<128x32xf32, #tpu.memory_space<vmem_shared>>
      tpu.wait_dma2 semaphore(%run_scoped3A : memref<!tpu.dma_semaphore, #tpu.memory_space<semaphore_mem>>) src(%arg10 : memref<128x32xf32, #tpu.memory_space<vmem>>) dst(%dma_wait3A_66 : memref<128x32xf32, #tpu.memory_space<vmem_shared>>)
      tpu.yield
    }) : () -> ()
    %barrier3A = arith.constant 0 : index
    tpu.barrier barrier_id(%barrier3A)
    "tpu.region"() ({
      %run_scoped3A = tpu.sem_alloc : memref<!tpu.dma_semaphore, #tpu.memory_space<semaphore_mem>>
      %dma_start3A = arith.constant 0 : i32
      %dma_start3A_61 = arith.constant 0 : i32
      %dma_start3A_62 = tpu.memref_slice %arg2[%add3A, %dma_start3A, %dma_start3A_61] : memref<32x125x80xi32, #tpu.memory_space<hbm>> -> memref<1x125x80xi32, #tpu.memory_space<hbm>>
      %dma_start3A_63 = tpu.memref_squeeze %dma_start3A_62 : memref<1x125x80xi32, #tpu.memory_space<hbm>> -> memref<125x80xi32, #tpu.memory_space<hbm>>
      %dma_start3A_64 = arith.constant 0 : i32
      %dma_start3A_65 = arith.constant 0 : i32
      %dma_start3A_66 = tpu.memref_slice %arg2[%add3A, %dma_start3A_64, %dma_start3A_65] : memref<32x125x80xi32, #tpu.memory_space<hbm>> -> memref<1x125x80xi32, #tpu.memory_space<hbm>>
      %dma_start3A_67 = tpu.memref_squeeze %dma_start3A_66 : memref<1x125x80xi32, #tpu.memory_space<hbm>> -> memref<125x80xi32, #tpu.memory_space<hbm>>
      tpu.enqueue_dma source(%dma_start3A_67 : memref<125x80xi32, #tpu.memory_space<hbm>>) target(%arg6 : memref<125x80xi32, #tpu.memory_space<vmem>>) target_semaphore(%run_scoped3A : memref<!tpu.dma_semaphore, #tpu.memory_space<semaphore_mem>>)
      %dma_wait3A = arith.constant 0 : i32
      %dma_wait3A_68 = arith.constant 0 : i32
      %dma_wait3A_69 = tpu.memref_slice %arg2[%add3A, %dma_wait3A, %dma_wait3A_68] : memref<32x125x80xi32, #tpu.memory_space<hbm>> -> memref<1x125x80xi32, #tpu.memory_space<hbm>>
      %dma_wait3A_70 = tpu.memref_squeeze %dma_wait3A_69 : memref<1x125x80xi32, #tpu.memory_space<hbm>> -> memref<125x80xi32, #tpu.memory_space<hbm>>
      %dma_wait3A_71 = arith.constant 0 : i32
      %dma_wait3A_72 = arith.constant 0 : i32
      %dma_wait3A_73 = tpu.memref_slice %arg2[%add3A, %dma_wait3A_71, %dma_wait3A_72] : memref<32x125x80xi32, #tpu.memory_space<hbm>> -> memref<1x125x80xi32, #tpu.memory_space<hbm>>
      %dma_wait3A_74 = tpu.memref_squeeze %dma_wait3A_73 : memref<1x125x80xi32, #tpu.memory_space<hbm>> -> memref<125x80xi32, #tpu.memory_space<hbm>>
      tpu.wait_dma2 semaphore(%run_scoped3A : memref<!tpu.dma_semaphore, #tpu.memory_space<semaphore_mem>>) src(%dma_wait3A_74 : memref<125x80xi32, #tpu.memory_space<hbm>>) dst(%arg6 : memref<125x80xi32, #tpu.memory_space<vmem>>)
      tpu.yield
    }) : () -> ()
    %iota3A = tpu.iota {dimensions = array<i32: 0>} : vector<16xi32>
    %eq3A = arith.constant 0 : i32
    %eq3A_28 = vector.broadcast %eq3A : i32 to vector<16xi32>
    %eq3A_29 = arith.cmpi eq, %iota3A, %eq3A_28 : vector<16xi32>
    %jit3A = arith.constant 1.000000e+00 : f32
    %jit3A_30 = arith.constant 0.000000e+00 : f32
    %broadcast_in_dim3A_31 = vector.broadcast %jit3A : f32 to vector<16xf32>
    %broadcast_in_dim3A_32 = vector.broadcast %jit3A_30 : f32 to vector<16xf32>
    %select_n3A = arith.select %eq3A_29, %broadcast_in_dim3A_31, %broadcast_in_dim3A_32 : vector<16xi1>, vector<16xf32>
    %scan3A_33 = arith.constant 0 : i32
    %scan3A_34 = arith.constant 0 : i32
    %scan3A_35 = arith.constant 125 : i32
    %scan3A_36 = arith.addi %scan3A_34, %scan3A_35 : i32
    %scan3A_37 = arith.constant 1 : i32
    %scan3A_38 = scf.for %scan3A_61 = %scan3A_34 to %scan3A_36 step %scan3A_37 iter_args(%scan3A_62 = %scan3A_33) -> (i32)  : i32 {
      "tpu.region"() ({
        %run_scoped3A = tpu.sem_alloc : memref<!tpu.dma_semaphore, #tpu.memory_space<semaphore_mem>>
        %dma_start3A = arith.constant 0 : i32
        %dma_start3A_71 = arith.constant 0 : i32
        %dma_start3A_72 = tpu.memref_slice %arg3[%add3A, %scan3A_61, %dma_start3A, %dma_start3A_71] : memref<32x125x80x16xf32, #tpu.memory_space<hbm>> -> memref<1x1x80x16xf32, #tpu.memory_space<hbm>>
        %dma_start3A_73 = tpu.memref_squeeze %dma_start3A_72 : memref<1x1x80x16xf32, #tpu.memory_space<hbm>> -> memref<80x16xf32, #tpu.memory_space<hbm>>
        %dma_start3A_74 = arith.constant 0 : i32
        %dma_start3A_75 = arith.constant 0 : i32
        %dma_start3A_76 = tpu.memref_slice %arg3[%add3A, %scan3A_61, %dma_start3A_74, %dma_start3A_75] : memref<32x125x80x16xf32, #tpu.memory_space<hbm>> -> memref<1x1x80x16xf32, #tpu.memory_space<hbm>>
        %dma_start3A_77 = tpu.memref_squeeze %dma_start3A_76 : memref<1x1x80x16xf32, #tpu.memory_space<hbm>> -> memref<80x16xf32, #tpu.memory_space<hbm>>
        tpu.enqueue_dma source(%dma_start3A_77 : memref<80x16xf32, #tpu.memory_space<hbm>>) target(%arg8 : memref<80x16xf32, #tpu.memory_space<vmem>>) target_semaphore(%run_scoped3A : memref<!tpu.dma_semaphore, #tpu.memory_space<semaphore_mem>>)
        %dma_wait3A = arith.constant 0 : i32
        %dma_wait3A_78 = arith.constant 0 : i32
        %dma_wait3A_79 = tpu.memref_slice %arg3[%add3A, %scan3A_61, %dma_wait3A, %dma_wait3A_78] : memref<32x125x80x16xf32, #tpu.memory_space<hbm>> -> memref<1x1x80x16xf32, #tpu.memory_space<hbm>>
        %dma_wait3A_80 = tpu.memref_squeeze %dma_wait3A_79 : memref<1x1x80x16xf32, #tpu.memory_space<hbm>> -> memref<80x16xf32, #tpu.memory_space<hbm>>
        %dma_wait3A_81 = arith.constant 0 : i32
        %dma_wait3A_82 = arith.constant 0 : i32
        %dma_wait3A_83 = tpu.memref_slice %arg3[%add3A, %scan3A_61, %dma_wait3A_81, %dma_wait3A_82] : memref<32x125x80x16xf32, #tpu.memory_space<hbm>> -> memref<1x1x80x16xf32, #tpu.memory_space<hbm>>
        %dma_wait3A_84 = tpu.memref_squeeze %dma_wait3A_83 : memref<1x1x80x16xf32, #tpu.memory_space<hbm>> -> memref<80x16xf32, #tpu.memory_space<hbm>>
        tpu.wait_dma2 semaphore(%run_scoped3A : memref<!tpu.dma_semaphore, #tpu.memory_space<semaphore_mem>>) src(%dma_wait3A_84 : memref<80x16xf32, #tpu.memory_space<hbm>>) dst(%arg8 : memref<80x16xf32, #tpu.memory_space<vmem>>)
        tpu.yield
      }) : () -> ()
      "tpu.region"() ({
        %run_scoped3A = tpu.sem_alloc : memref<!tpu.dma_semaphore, #tpu.memory_space<semaphore_mem>>
        %dma_start3A = arith.constant 0 : i32
        %dma_start3A_71 = arith.constant 0 : i32
        %dma_start3A_72 = tpu.memref_slice %arg4[%add3A, %scan3A_61, %dma_start3A, %dma_start3A_71] : memref<32x125x80x16xf32, #tpu.memory_space<hbm>> -> memref<1x1x80x16xf32, #tpu.memory_space<hbm>>
        %dma_start3A_73 = tpu.memref_squeeze %dma_start3A_72 : memref<1x1x80x16xf32, #tpu.memory_space<hbm>> -> memref<80x16xf32, #tpu.memory_space<hbm>>
        %dma_start3A_74 = arith.constant 0 : i32
        %dma_start3A_75 = arith.constant 0 : i32
        %dma_start3A_76 = tpu.memref_slice %arg4[%add3A, %scan3A_61, %dma_start3A_74, %dma_start3A_75] : memref<32x125x80x16xf32, #tpu.memory_space<hbm>> -> memref<1x1x80x16xf32, #tpu.memory_space<hbm>>
        %dma_start3A_77 = tpu.memref_squeeze %dma_start3A_76 : memref<1x1x80x16xf32, #tpu.memory_space<hbm>> -> memref<80x16xf32, #tpu.memory_space<hbm>>
        tpu.enqueue_dma source(%dma_start3A_77 : memref<80x16xf32, #tpu.memory_space<hbm>>) target(%arg7 : memref<80x16xf32, #tpu.memory_space<vmem>>) target_semaphore(%run_scoped3A : memref<!tpu.dma_semaphore, #tpu.memory_space<semaphore_mem>>)
        %dma_wait3A = arith.constant 0 : i32
        %dma_wait3A_78 = arith.constant 0 : i32
        %dma_wait3A_79 = tpu.memref_slice %arg4[%add3A, %scan3A_61, %dma_wait3A, %dma_wait3A_78] : memref<32x125x80x16xf32, #tpu.memory_space<hbm>> -> memref<1x1x80x16xf32, #tpu.memory_space<hbm>>
        %dma_wait3A_80 = tpu.memref_squeeze %dma_wait3A_79 : memref<1x1x80x16xf32, #tpu.memory_space<hbm>> -> memref<80x16xf32, #tpu.memory_space<hbm>>
        %dma_wait3A_81 = arith.constant 0 : i32
        %dma_wait3A_82 = arith.constant 0 : i32
        %dma_wait3A_83 = tpu.memref_slice %arg4[%add3A, %scan3A_61, %dma_wait3A_81, %dma_wait3A_82] : memref<32x125x80x16xf32, #tpu.memory_space<hbm>> -> memref<1x1x80x16xf32, #tpu.memory_space<hbm>>
        %dma_wait3A_84 = tpu.memref_squeeze %dma_wait3A_83 : memref<1x1x80x16xf32, #tpu.memory_space<hbm>> -> memref<80x16xf32, #tpu.memory_space<hbm>>
        tpu.wait_dma2 semaphore(%run_scoped3A : memref<!tpu.dma_semaphore, #tpu.memory_space<semaphore_mem>>) src(%dma_wait3A_84 : memref<80x16xf32, #tpu.memory_space<hbm>>) dst(%arg7 : memref<80x16xf32, #tpu.memory_space<vmem>>)
        tpu.yield
      }) : () -> ()
      %scan3A_63 = arith.constant 0 : i32
      %scan3A_64 = arith.constant 0 : i32
      %scan3A_65 = arith.constant 80 : i32
      %scan3A_66 = arith.addi %scan3A_64, %scan3A_65 : i32
      %scan3A_67 = arith.constant 1 : i32
      %scan3A_68 = scf.for %scan3A_71 = %scan3A_64 to %scan3A_66 step %scan3A_67 iter_args(%scan3A_72 = %scan3A_63) -> (i32)  : i32 {
        %get3A = arith.index_cast %scan3A_71 : i32 to index
        %get3A_73 = arith.constant 0 : index
        %get3A_74 = tpu.vector_load %arg7[%get3A, %get3A_73] {strides = array<i32>} : memref<80x16xf32, #tpu.memory_space<vmem>>, vector<1x16xf32>,
        %get3A_75 = vector.shape_cast %get3A_74 : vector<1x16xf32> to vector<16xf32>
        %get3A_76 = arith.index_cast %scan3A_71 : i32 to index
        %get3A_77 = arith.constant 0 : index
        %get3A_78 = tpu.vector_load %arg8[%get3A_76, %get3A_77] {strides = array<i32>} : memref<80x16xf32, #tpu.memory_space<vmem>>, vector<1x16xf32>,
        %get3A_79 = vector.shape_cast %get3A_78 : vector<1x16xf32> to vector<16xf32>
        %mul3A_80 = arith.mulf %get3A_79, %get3A_75 : vector<16xf32>
        %swap3A = arith.index_cast %scan3A_71 : i32 to index
        %swap3A_81 = arith.constant 0 : index
        %swap3A_82 = tpu.vector_load %arg9[%swap3A, %swap3A_81] {strides = array<i32>} : memref<80x32xf32, #tpu.memory_space<vmem>>, vector<1x16xf32>,
        %swap3A_83 = vector.shape_cast %swap3A_82 : vector<1x16xf32> to vector<16xf32>
        %swap3A_84 = vector.shape_cast %mul3A_80 : vector<16xf32> to vector<1x16xf32>
        tpu.vector_store %arg9[%swap3A, %swap3A_81], %swap3A_84 {strides = array<i32>} : memref<80x32xf32, #tpu.memory_space<vmem>>, vector<1x16xf32>,
        %swap3A_85 = arith.index_cast %scan3A_71 : i32 to index
        %swap3A_86 = arith.constant 16 : index
        %swap3A_87 = tpu.vector_load %arg9[%swap3A_85, %swap3A_86] {strides = array<i32>} : memref<80x32xf32, #tpu.memory_space<vmem>>, vector<1x16xf32>,
        %swap3A_88 = vector.shape_cast %swap3A_87 : vector<1x16xf32> to vector<16xf32>
        %swap3A_89 = vector.shape_cast %select_n3A : vector<16xf32> to vector<1x16xf32>
        tpu.vector_store %arg9[%swap3A_85, %swap3A_86], %swap3A_89 {strides = array<i32>} : memref<80x32xf32, #tpu.memory_space<vmem>>, vector<1x16xf32>,
        %scan3A_90 = arith.constant 0 : i32
        scf.yield %scan3A_90 : i32
      }
      %scan3A_69 = arith.constant 80 : i32
      "tpu.region"() ({
        %run_scoped3A = tpu.sem_alloc : memref<!tpu.dma_semaphore, #tpu.memory_space<semaphore_mem>>
        %dma_start3A = arith.constant 0 : i32
        %dma_start3A_71 = tpu.memref_slice %arg6[%scan3A_61, %dma_start3A] : memref<125x80xi32, #tpu.memory_space<vmem>> -> memref<1x80xi32, #tpu.memory_space<vmem>>
        %dma_start3A_72 = tpu.memref_squeeze %dma_start3A_71 : memref<1x80xi32, #tpu.memory_space<vmem>> -> memref<80xi32, #tpu.memory_space<vmem>>
        %dma_start3A_73 = arith.constant 0 : i32
        %dma_start3A_74 = arith.constant 0 : i32
        %dma_start3A_75 = tpu.memref_slice %arg11[%dma_start3A_73, %dma_start3A_74] : memref<10240x32xf32, #tpu.memory_space<vmem_shared>> -> memref<10240x32xf32, #tpu.memory_space<vmem_shared>>
        tpu.enqueue_indirect_dma source(%arg9 : memref<80x32xf32, #tpu.memory_space<vmem>>) target(%dma_start3A_75 : memref<10240x32xf32, #tpu.memory_space<vmem_shared>>) offsets(%dma_start3A_72 : memref<80xi32, #tpu.memory_space<vmem>>) semaphore(%run_scoped3A : memref<!tpu.dma_semaphore, #tpu.memory_space<semaphore_mem>>) {add = true}
        %dma_wait3A = arith.constant 0 : i32
        %dma_wait3A_76 = tpu.memref_slice %arg6[%scan3A_61, %dma_wait3A] : memref<125x80xi32, #tpu.memory_space<vmem>> -> memref<1x80xi32, #tpu.memory_space<vmem>>
        %dma_wait3A_77 = tpu.memref_squeeze %dma_wait3A_76 : memref<1x80xi32, #tpu.memory_space<vmem>> -> memref<80xi32, #tpu.memory_space<vmem>>
        %dma_wait3A_78 = arith.constant 0 : i32
        %dma_wait3A_79 = arith.constant 0 : i32
        %dma_wait3A_80 = tpu.memref_slice %arg11[%dma_wait3A_78, %dma_wait3A_79] : memref<10240x32xf32, #tpu.memory_space<vmem_shared>> -> memref<10240x32xf32, #tpu.memory_space<vmem_shared>>
        tpu.wait_indirect_dma semaphore(%run_scoped3A : memref<!tpu.dma_semaphore, #tpu.memory_space<semaphore_mem>>) src(%arg9 : memref<80x32xf32, #tpu.memory_space<vmem>>) dst(%dma_wait3A_80 : memref<10240x32xf32, #tpu.memory_space<vmem_shared>>)
        tpu.yield
      }) : () -> ()
      %scan3A_70 = arith.constant 0 : i32
      scf.yield %scan3A_70 : i32
    }
    %scan3A_39 = arith.constant 125 : i32
    %barrier3A_40 = arith.constant 0 : index
    tpu.barrier barrier_id(%barrier3A_40)
    %mul3A_41 = arith.constant 640 : i32
    %mul3A_42 = arith.muli %arg1, %mul3A_41 : i32
    %add3A_43 = arith.constant 0 : i32
    %add3A_44 = arith.addi %mul3A_42, %add3A_43 : i32
    "tpu.region"() ({
      %run_scoped3A = tpu.sem_alloc : memref<!tpu.dma_semaphore, #tpu.memory_space<semaphore_mem>>
      %dma_start3A = arith.constant 0 : i32
      %dma_start3A_61 = tpu.memref_slice %arg5[%arg0, %add3A_44, %dma_start3A] : memref<2x10240x32xf32, #tpu.memory_space<hbm>> -> memref<1x128x32xf32, #tpu.memory_space<hbm>>
      %dma_start3A_62 = tpu.memref_squeeze %dma_start3A_61 : memref<1x128x32xf32, #tpu.memory_space<hbm>> -> memref<128x32xf32, #tpu.memory_space<hbm>>
      %dma_start3A_63 = arith.constant 0 : i32
      %dma_start3A_64 = tpu.memref_slice %arg11[%add3A_44, %dma_start3A_63] : memref<10240x32xf32, #tpu.memory_space<vmem_shared>> -> memref<128x32xf32, #tpu.memory_space<vmem_shared>>
      tpu.enqueue_dma source(%dma_start3A_64 : memref<128x32xf32, #tpu.memory_space<vmem_shared>>) target(%dma_start3A_62 : memref<128x32xf32, #tpu.memory_space<hbm>>) target_semaphore(%run_scoped3A : memref<!tpu.dma_semaphore, #tpu.memory_space<semaphore_mem>>)
      %dma_wait3A = arith.constant 0 : i32
      %dma_wait3A_65 = tpu.memref_slice %arg5[%arg0, %add3A_44, %dma_wait3A] : memref<2x10240x32xf32, #tpu.memory_space<hbm>> -> memref<1x128x32xf32, #tpu.memory_space<hbm>>
      %dma_wait3A_66 = tpu.memref_squeeze %dma_wait3A_65 : memref<1x128x32xf32, #tpu.memory_space<hbm>> -> memref<128x32xf32, #tpu.memory_space<hbm>>
      %dma_wait3A_67 = arith.constant 0 : i32
      %dma_wait3A_68 = tpu.memref_slice %arg11[%add3A_44, %dma_wait3A_67] : memref<10240x32xf32, #tpu.memory_space<vmem_shared>> -> memref<128x32xf32, #tpu.memory_space<vmem_shared>>
      tpu.wait_dma2 semaphore(%run_scoped3A : memref<!tpu.dma_semaphore, #tpu.memory_space<semaphore_mem>>) src(%dma_wait3A_68 : memref<128x32xf32, #tpu.memory_space<vmem_shared>>) dst(%dma_wait3A_66 : memref<128x32xf32, #tpu.memory_space<hbm>>)
      tpu.yield
    }) : () -> ()
    %mul3A_45 = arith.constant 640 : i32
    %mul3A_46 = arith.muli %arg1, %mul3A_45 : i32
    %add3A_47 = arith.constant 128 : i32
    %add3A_48 = arith.addi %mul3A_46, %add3A_47 : i32
    "tpu.region"() ({
      %run_scoped3A = tpu.sem_alloc : memref<!tpu.dma_semaphore, #tpu.memory_space<semaphore_mem>>
      %dma_start3A = arith.constant 0 : i32
      %dma_start3A_61 = tpu.memref_slice %arg5[%arg0, %add3A_48, %dma_start3A] : memref<2x10240x32xf32, #tpu.memory_space<hbm>> -> memref<1x128x32xf32, #tpu.memory_space<hbm>>
      %dma_start3A_62 = tpu.memref_squeeze %dma_start3A_61 : memref<1x128x32xf32, #tpu.memory_space<hbm>> -> memref<128x32xf32, #tpu.memory_space<hbm>>
      %dma_start3A_63 = arith.constant 0 : i32
      %dma_start3A_64 = tpu.memref_slice %arg11[%add3A_48, %dma_start3A_63] : memref<10240x32xf32, #tpu.memory_space<vmem_shared>> -> memref<128x32xf32, #tpu.memory_space<vmem_shared>>
      tpu.enqueue_dma source(%dma_start3A_64 : memref<128x32xf32, #tpu.memory_space<vmem_shared>>) target(%dma_start3A_62 : memref<128x32xf32, #tpu.memory_space<hbm>>) target_semaphore(%run_scoped3A : memref<!tpu.dma_semaphore, #tpu.memory_space<semaphore_mem>>)
      %dma_wait3A = arith.constant 0 : i32
      %dma_wait3A_65 = tpu.memref_slice %arg5[%arg0, %add3A_48, %dma_wait3A] : memref<2x10240x32xf32, #tpu.memory_space<hbm>> -> memref<1x128x32xf32, #tpu.memory_space<hbm>>
      %dma_wait3A_66 = tpu.memref_squeeze %dma_wait3A_65 : memref<1x128x32xf32, #tpu.memory_space<hbm>> -> memref<128x32xf32, #tpu.memory_space<hbm>>
      %dma_wait3A_67 = arith.constant 0 : i32
      %dma_wait3A_68 = tpu.memref_slice %arg11[%add3A_48, %dma_wait3A_67] : memref<10240x32xf32, #tpu.memory_space<vmem_shared>> -> memref<128x32xf32, #tpu.memory_space<vmem_shared>>
      tpu.wait_dma2 semaphore(%run_scoped3A : memref<!tpu.dma_semaphore, #tpu.memory_space<semaphore_mem>>) src(%dma_wait3A_68 : memref<128x32xf32, #tpu.memory_space<vmem_shared>>) dst(%dma_wait3A_66 : memref<128x32xf32, #tpu.memory_space<hbm>>)
      tpu.yield
    }) : () -> ()
    %mul3A_49 = arith.constant 640 : i32
    %mul3A_50 = arith.muli %arg1, %mul3A_49 : i32
    %add3A_51 = arith.constant 256 : i32
    %add3A_52 = arith.addi %mul3A_50, %add3A_51 : i32
    "tpu.region"() ({
      %run_scoped3A = tpu.sem_alloc : memref<!tpu.dma_semaphore, #tpu.memory_space<semaphore_mem>>
      %dma_start3A = arith.constant 0 : i32
      %dma_start3A_61 = tpu.memref_slice %arg5[%arg0, %add3A_52, %dma_start3A] : memref<2x10240x32xf32, #tpu.memory_space<hbm>> -> memref<1x128x32xf32, #tpu.memory_space<hbm>>
      %dma_start3A_62 = tpu.memref_squeeze %dma_start3A_61 : memref<1x128x32xf32, #tpu.memory_space<hbm>> -> memref<128x32xf32, #tpu.memory_space<hbm>>
      %dma_start3A_63 = arith.constant 0 : i32
      %dma_start3A_64 = tpu.memref_slice %arg11[%add3A_52, %dma_start3A_63] : memref<10240x32xf32, #tpu.memory_space<vmem_shared>> -> memref<128x32xf32, #tpu.memory_space<vmem_shared>>
      tpu.enqueue_dma source(%dma_start3A_64 : memref<128x32xf32, #tpu.memory_space<vmem_shared>>) target(%dma_start3A_62 : memref<128x32xf32, #tpu.memory_space<hbm>>) target_semaphore(%run_scoped3A : memref<!tpu.dma_semaphore, #tpu.memory_space<semaphore_mem>>)
      %dma_wait3A = arith.constant 0 : i32
      %dma_wait3A_65 = tpu.memref_slice %arg5[%arg0, %add3A_52, %dma_wait3A] : memref<2x10240x32xf32, #tpu.memory_space<hbm>> -> memref<1x128x32xf32, #tpu.memory_space<hbm>>
      %dma_wait3A_66 = tpu.memref_squeeze %dma_wait3A_65 : memref<1x128x32xf32, #tpu.memory_space<hbm>> -> memref<128x32xf32, #tpu.memory_space<hbm>>
      %dma_wait3A_67 = arith.constant 0 : i32
      %dma_wait3A_68 = tpu.memref_slice %arg11[%add3A_52, %dma_wait3A_67] : memref<10240x32xf32, #tpu.memory_space<vmem_shared>> -> memref<128x32xf32, #tpu.memory_space<vmem_shared>>
      tpu.wait_dma2 semaphore(%run_scoped3A : memref<!tpu.dma_semaphore, #tpu.memory_space<semaphore_mem>>) src(%dma_wait3A_68 : memref<128x32xf32, #tpu.memory_space<vmem_shared>>) dst(%dma_wait3A_66 : memref<128x32xf32, #tpu.memory_space<hbm>>)
      tpu.yield
    }) : () -> ()
    %mul3A_53 = arith.constant 640 : i32
    %mul3A_54 = arith.muli %arg1, %mul3A_53 : i32
    %add3A_55 = arith.constant 384 : i32
    %add3A_56 = arith.addi %mul3A_54, %add3A_55 : i32
    "tpu.region"() ({
      %run_scoped3A = tpu.sem_alloc : memref<!tpu.dma_semaphore, #tpu.memory_space<semaphore_mem>>
      %dma_start3A = arith.constant 0 : i32
      %dma_start3A_61 = tpu.memref_slice %arg5[%arg0, %add3A_56, %dma_start3A] : memref<2x10240x32xf32, #tpu.memory_space<hbm>> -> memref<1x128x32xf32, #tpu.memory_space<hbm>>
      %dma_start3A_62 = tpu.memref_squeeze %dma_start3A_61 : memref<1x128x32xf32, #tpu.memory_space<hbm>> -> memref<128x32xf32, #tpu.memory_space<hbm>>
      %dma_start3A_63 = arith.constant 0 : i32
      %dma_start3A_64 = tpu.memref_slice %arg11[%add3A_56, %dma_start3A_63] : memref<10240x32xf32, #tpu.memory_space<vmem_shared>> -> memref<128x32xf32, #tpu.memory_space<vmem_shared>>
      tpu.enqueue_dma source(%dma_start3A_64 : memref<128x32xf32, #tpu.memory_space<vmem_shared>>) target(%dma_start3A_62 : memref<128x32xf32, #tpu.memory_space<hbm>>) target_semaphore(%run_scoped3A : memref<!tpu.dma_semaphore, #tpu.memory_space<semaphore_mem>>)
      %dma_wait3A = arith.constant 0 : i32
      %dma_wait3A_65 = tpu.memref_slice %arg5[%arg0, %add3A_56, %dma_wait3A] : memref<2x10240x32xf32, #tpu.memory_space<hbm>> -> memref<1x128x32xf32, #tpu.memory_space<hbm>>
      %dma_wait3A_66 = tpu.memref_squeeze %dma_wait3A_65 : memref<1x128x32xf32, #tpu.memory_space<hbm>> -> memref<128x32xf32, #tpu.memory_space<hbm>>
      %dma_wait3A_67 = arith.constant 0 : i32
      %dma_wait3A_68 = tpu.memref_slice %arg11[%add3A_56, %dma_wait3A_67] : memref<10240x32xf32, #tpu.memory_space<vmem_shared>> -> memref<128x32xf32, #tpu.memory_space<vmem_shared>>
      tpu.wait_dma2 semaphore(%run_scoped3A : memref<!tpu.dma_semaphore, #tpu.memory_space<semaphore_mem>>) src(%dma_wait3A_68 : memref<128x32xf32, #tpu.memory_space<vmem_shared>>) dst(%dma_wait3A_66 : memref<128x32xf32, #tpu.memory_space<hbm>>)
      tpu.yield
    }) : () -> ()
    %mul3A_57 = arith.constant 640 : i32
    %mul3A_58 = arith.muli %arg1, %mul3A_57 : i32
    %add3A_59 = arith.constant 512 : i32
    %add3A_60 = arith.addi %mul3A_58, %add3A_59 : i32
    "tpu.region"() ({
      %run_scoped3A = tpu.sem_alloc : memref<!tpu.dma_semaphore, #tpu.memory_space<semaphore_mem>>
      %dma_start3A = arith.constant 0 : i32
      %dma_start3A_61 = tpu.memref_slice %arg5[%arg0, %add3A_60, %dma_start3A] : memref<2x10240x32xf32, #tpu.memory_space<hbm>> -> memref<1x128x32xf32, #tpu.memory_space<hbm>>
      %dma_start3A_62 = tpu.memref_squeeze %dma_start3A_61 : memref<1x128x32xf32, #tpu.memory_space<hbm>> -> memref<128x32xf32, #tpu.memory_space<hbm>>
      %dma_start3A_63 = arith.constant 0 : i32
      %dma_start3A_64 = tpu.memref_slice %arg11[%add3A_60, %dma_start3A_63] : memref<10240x32xf32, #tpu.memory_space<vmem_shared>> -> memref<128x32xf32, #tpu.memory_space<vmem_shared>>
      tpu.enqueue_dma source(%dma_start3A_64 : memref<128x32xf32, #tpu.memory_space<vmem_shared>>) target(%dma_start3A_62 : memref<128x32xf32, #tpu.memory_space<hbm>>) target_semaphore(%run_scoped3A : memref<!tpu.dma_semaphore, #tpu.memory_space<semaphore_mem>>)
      %dma_wait3A = arith.constant 0 : i32
      %dma_wait3A_65 = tpu.memref_slice %arg5[%arg0, %add3A_60, %dma_wait3A] : memref<2x10240x32xf32, #tpu.memory_space<hbm>> -> memref<1x128x32xf32, #tpu.memory_space<hbm>>
      %dma_wait3A_66 = tpu.memref_squeeze %dma_wait3A_65 : memref<1x128x32xf32, #tpu.memory_space<hbm>> -> memref<128x32xf32, #tpu.memory_space<hbm>>
      %dma_wait3A_67 = arith.constant 0 : i32
      %dma_wait3A_68 = tpu.memref_slice %arg11[%add3A_60, %dma_wait3A_67] : memref<10240x32xf32, #tpu.memory_space<vmem_shared>> -> memref<128x32xf32, #tpu.memory_space<vmem_shared>>
      tpu.wait_dma2 semaphore(%run_scoped3A : memref<!tpu.dma_semaphore, #tpu.memory_space<semaphore_mem>>) src(%dma_wait3A_68 : memref<128x32xf32, #tpu.memory_space<vmem_shared>>) dst(%dma_wait3A_66 : memref<128x32xf32, #tpu.memory_space<hbm>>)
      tpu.yield
    }) : () -> ()
    return
  }
}

module attributes {stable_mosaic.version = 14 : i64} {
  func.func @_tc_h0_body(%arg0: i32, %arg1: memref<1000x128xf32, #tpu.memory_space<vmem>>, %arg2: memref<2x1000x32xf32, #tpu.memory_space<vmem>>, %arg3: memref<128x144xf32, #tpu.memory_space<vmem>>, %arg4: memref<1x128xf32, #tpu.memory_space<vmem>>, %arg5: memref<1000x128xf32, #tpu.memory_space<vmem>>, %arg6: memref<2x1000x64xf32, #tpu.memory_space<vmem>>) attributes {dimension_semantics = [#tpu.dimension_semantics<arbitrary>], iteration_bounds = array<i64: 10>, scalar_prefetch = 0 : i64, scratch_operands = 0 : i64, tpu.core_type = #tpu.core_type<tc>, window_params = [{transform_indices = @transform_0, window_bounds = array<i64: 1000, 128>}, {transform_indices = @transform_1, window_bounds = array<i64: 2, 1000, 32>}, {pipeline_mode = #tpu.pipeline_mode<synchronous>, transform_indices = @transform_2, window_bounds = array<i64: 128, 144>}, {pipeline_mode = #tpu.pipeline_mode<synchronous>, transform_indices = @transform_3, window_bounds = array<i64: 1, 128>}, {transform_indices = @transform_4, window_bounds = array<i64: 1000, 128>}, {transform_indices = @transform_5, window_bounds = array<i64: 2, 1000, 64>}]} {
    %get3A = arith.constant 0 : index
    %get3A_0 = arith.constant 0 : index
    %get3A_1 = arith.constant 0 : index
    %get3A_2 = vector.load %arg2[%get3A, %get3A_0, %get3A_1] : memref<2x1000x32xf32, #tpu.memory_space<vmem>>, vector<1x1000x16xf32>
    %get3A_3 = vector.shape_cast %get3A_2 : vector<1x1000x16xf32> to vector<1000x16xf32>
    %get3A_4 = arith.constant 1 : index
    %get3A_5 = arith.constant 0 : index
    %get3A_6 = arith.constant 0 : index
    %get3A_7 = vector.load %arg2[%get3A_4, %get3A_5, %get3A_6] : memref<2x1000x32xf32, #tpu.memory_space<vmem>>, vector<1x1000x16xf32>
    %get3A_8 = vector.shape_cast %get3A_7 : vector<1x1000x16xf32> to vector<1000x16xf32>
    %add3A = arith.addf %get3A_3, %get3A_8 : vector<1000x16xf32>
    %get3A_9 = arith.constant 0 : index
    %get3A_10 = arith.constant 0 : index
    %get3A_11 = vector.load %arg1[%get3A_9, %get3A_10] : memref<1000x128xf32, #tpu.memory_space<vmem>>, vector<1000x128xf32>
    %get3A_12 = arith.constant 0 : index
    %get3A_13 = arith.constant 0 : index
    %get3A_14 = vector.load %arg3[%get3A_12, %get3A_13] : memref<128x144xf32, #tpu.memory_space<vmem>>, vector<128x128xf32>
    %dot_general3A = arith.constant dense<0.000000e+00> : vector<1000x128xf32>
    %dot_general3A_15 = tpu.matmul %get3A_11, %get3A_14, %dot_general3A {dimension_numbers = #tpu.dot_dimension_numbers<[1], [1], [0], [0], [0, 0, 1, 0], [], []>, transpose_lhs_hint = false} : vector<1000x128xf32>, vector<128x128xf32>, vector<1000x128xf32> -> vector<1000x128xf32>
    %get3A_16 = arith.constant 0 : index
    %get3A_17 = arith.constant 128 : index
    %get3A_18 = vector.load %arg3[%get3A_16, %get3A_17] : memref<128x144xf32, #tpu.memory_space<vmem>>, vector<128x16xf32>
    %dot_general3A_19 = arith.constant dense<0.000000e+00> : vector<1000x128xf32>
    %dot_general3A_20 = tpu.matmul %add3A, %get3A_18, %dot_general3A_19 {dimension_numbers = #tpu.dot_dimension_numbers<[1], [1], [0], [0], [0, 0, 1, 0], [], []>, transpose_lhs_hint = false} : vector<1000x16xf32>, vector<128x16xf32>, vector<1000x128xf32> -> vector<1000x128xf32>
    %add3A_21 = arith.addf %dot_general3A_15, %dot_general3A_20 : vector<1000x128xf32>
    %get3A_22 = arith.constant 0 : index
    %get3A_23 = arith.constant 0 : index
    %get3A_24 = vector.load %arg4[%get3A_22, %get3A_23] : memref<1x128xf32, #tpu.memory_space<vmem>>, vector<1x128xf32>
    %add3A_25 = vector.broadcast %get3A_24 : vector<1x128xf32> to vector<1000x128xf32>
    %add3A_26 = arith.addf %add3A_21, %add3A_25 : vector<1000x128xf32>
    %max3A = arith.constant 0.000000e+00 : f32
    %max3A_27 = vector.broadcast %max3A : f32 to vector<1000x128xf32>
    %max3A_28 = arith.maximumf %add3A_26, %max3A_27 : vector<1000x128xf32>
    %swap3A = arith.constant 0 : index
    %swap3A_29 = arith.constant 0 : index
    %swap3A_30 = vector.load %arg5[%swap3A, %swap3A_29] : memref<1000x128xf32, #tpu.memory_space<vmem>>, vector<1000x128xf32>
    tpu.vector_store %arg5[%swap3A, %swap3A_29], %max3A_28 {strides = array<i32>} : memref<1000x128xf32, #tpu.memory_space<vmem>>, vector<1000x128xf32>,
    %slice3A = vector.extract_strided_slice %max3A_28 {offsets = [0, 0], sizes = [1000, 64], strides = [1, 1]} : vector<1000x128xf32> to vector<1000x64xf32>
    %swap3A_31 = arith.constant 0 : index
    %swap3A_32 = arith.constant 0 : index
    %swap3A_33 = arith.constant 0 : index
    %swap3A_34 = vector.load %arg6[%swap3A_31, %swap3A_32, %swap3A_33] : memref<2x1000x64xf32, #tpu.memory_space<vmem>>, vector<1x1000x64xf32>
    %swap3A_35 = vector.shape_cast %swap3A_34 : vector<1x1000x64xf32> to vector<1000x64xf32>
    %swap3A_36 = vector.shape_cast %slice3A : vector<1000x64xf32> to vector<1x1000x64xf32>
    tpu.vector_store %arg6[%swap3A_31, %swap3A_32, %swap3A_33], %swap3A_36 {strides = array<i32>} : memref<2x1000x64xf32, #tpu.memory_space<vmem>>, vector<1x1000x64xf32>,
    %slice3A_37 = vector.extract_strided_slice %max3A_28 {offsets = [0, 64], sizes = [1000, 64], strides = [1, 1]} : vector<1000x128xf32> to vector<1000x64xf32>
    %swap3A_38 = arith.constant 1 : index
    %swap3A_39 = arith.constant 0 : index
    %swap3A_40 = arith.constant 0 : index
    %swap3A_41 = vector.load %arg6[%swap3A_38, %swap3A_39, %swap3A_40] : memref<2x1000x64xf32, #tpu.memory_space<vmem>>, vector<1x1000x64xf32>
    %swap3A_42 = vector.shape_cast %swap3A_41 : vector<1x1000x64xf32> to vector<1000x64xf32>
    %swap3A_43 = vector.shape_cast %slice3A_37 : vector<1000x64xf32> to vector<1x1000x64xf32>
    tpu.vector_store %arg6[%swap3A_38, %swap3A_39, %swap3A_40], %swap3A_43 {strides = array<i32>} : memref<2x1000x64xf32, #tpu.memory_space<vmem>>, vector<1x1000x64xf32>,
    return
  }
  func.func @transform_0(%arg0: i32) -> (i32, i32) {
    %c0_i32 = arith.constant 0 : i32
    %c0_i32_0 = arith.constant 0 : i32
    return %arg0, %c0_i32 : i32, i32
  }
  func.func @transform_1(%arg0: i32) -> (i32, i32, i32) {
    %c0_i32 = arith.constant 0 : i32
    %c0_i32_0 = arith.constant 0 : i32
    %c0_i32_1 = arith.constant 0 : i32
    return %c0_i32, %arg0, %c0_i32_0 : i32, i32, i32
  }
  func.func @transform_2(%arg0: i32) -> (i32, i32) {
    %c0_i32 = arith.constant 0 : i32
    %c0_i32_0 = arith.constant 0 : i32
    %c0_i32_1 = arith.constant 0 : i32
    return %c0_i32, %c0_i32_0 : i32, i32
  }
  func.func @transform_3(%arg0: i32) -> (i32, i32) {
    %c0_i32 = arith.constant 0 : i32
    %c0_i32_0 = arith.constant 0 : i32
    %c0_i32_1 = arith.constant 0 : i32
    return %c0_i32, %c0_i32_0 : i32, i32
  }
  func.func @transform_4(%arg0: i32) -> (i32, i32) {
    %c0_i32 = arith.constant 0 : i32
    %c0_i32_0 = arith.constant 0 : i32
    return %arg0, %c0_i32 : i32, i32
  }
  func.func @transform_5(%arg0: i32) -> (i32, i32, i32) {
    %c0_i32 = arith.constant 0 : i32
    %c0_i32_0 = arith.constant 0 : i32
    %c0_i32_1 = arith.constant 0 : i32
    return %c0_i32, %arg0, %c0_i32_0 : i32, i32, i32
  }
}

module attributes {stable_mosaic.version = 14 : i64} {
  func.func @_tc_out_body(%arg0: i32, %arg1: memref<1000x128xf32, #tpu.memory_space<vmem>>, %arg2: memref<2x1000x64xf32, #tpu.memory_space<vmem>>, %arg3: memref<2x1000x32xf32, #tpu.memory_space<vmem>>, %arg4: memref<128x128xf32, #tpu.memory_space<vmem>>, %arg5: memref<1x128xf32, #tpu.memory_space<vmem>>, %arg6: memref<1000x1xf32, #tpu.memory_space<vmem>>, %arg7: memref<1000x128xf32, #tpu.memory_space<vmem>>) attributes {dimension_semantics = [#tpu.dimension_semantics<arbitrary>], iteration_bounds = array<i64: 10>, scalar_prefetch = 0 : i64, scratch_operands = 0 : i64, tpu.core_type = #tpu.core_type<tc>, window_params = [{transform_indices = @transform_0, window_bounds = array<i64: 1000, 128>}, {transform_indices = @transform_1, window_bounds = array<i64: 2, 1000, 64>}, {transform_indices = @transform_2, window_bounds = array<i64: 2, 1000, 32>}, {pipeline_mode = #tpu.pipeline_mode<synchronous>, transform_indices = @transform_3, window_bounds = array<i64: 128, 128>}, {pipeline_mode = #tpu.pipeline_mode<synchronous>, transform_indices = @transform_4, window_bounds = array<i64: 1, 128>}, {transform_indices = @transform_5, window_bounds = array<i64: 1000, 1>}, {transform_indices = @transform_6, window_bounds = array<i64: 1000, 128>}]} {
    %get3A = arith.constant 0 : index
    %get3A_0 = arith.constant 0 : index
    %get3A_1 = arith.constant 16 : index
    %get3A_2 = vector.load %arg3[%get3A, %get3A_0, %get3A_1] : memref<2x1000x32xf32, #tpu.memory_space<vmem>>, vector<1x1000x1xf32>
    %get3A_3 = vector.shape_cast %get3A_2 : vector<1x1000x1xf32> to vector<1000x1xf32>
    %get3A_4 = arith.constant 1 : index
    %get3A_5 = arith.constant 0 : index
    %get3A_6 = arith.constant 16 : index
    %get3A_7 = vector.load %arg3[%get3A_4, %get3A_5, %get3A_6] : memref<2x1000x32xf32, #tpu.memory_space<vmem>>, vector<1x1000x1xf32>
    %get3A_8 = vector.shape_cast %get3A_7 : vector<1x1000x1xf32> to vector<1000x1xf32>
    %add3A = arith.addf %get3A_3, %get3A_8 : vector<1000x1xf32>
    %get3A_9 = arith.constant 0 : index
    %get3A_10 = arith.constant 0 : index
    %get3A_11 = arith.constant 0 : index
    %get3A_12 = vector.load %arg2[%get3A_9, %get3A_10, %get3A_11] : memref<2x1000x64xf32, #tpu.memory_space<vmem>>, vector<1x1000x64xf32>
    %get3A_13 = vector.shape_cast %get3A_12 : vector<1x1000x64xf32> to vector<1000x64xf32>
    %get3A_14 = arith.constant 1 : index
    %get3A_15 = arith.constant 0 : index
    %get3A_16 = arith.constant 0 : index
    %get3A_17 = vector.load %arg2[%get3A_14, %get3A_15, %get3A_16] : memref<2x1000x64xf32, #tpu.memory_space<vmem>>, vector<1x1000x64xf32>
    %get3A_18 = vector.shape_cast %get3A_17 : vector<1x1000x64xf32> to vector<1000x64xf32>
    %concatenate3A = tpu.concatenate %get3A_13, %get3A_18 in 1 : vector<1000x64xf32>, vector<1000x64xf32> -> vector<1000x128xf32>
    %max3A = arith.constant 1.000000e+00 : f32
    %max3A_19 = vector.broadcast %max3A : f32 to vector<1000x1xf32>
    %max3A_20 = arith.maximumf %add3A, %max3A_19 : vector<1000x1xf32>
    %div3A = vector.broadcast %max3A_20 : vector<1000x1xf32> to vector<1000x128xf32>
    %div3A_21 = arith.divf %concatenate3A, %div3A : vector<1000x128xf32>
    %get3A_22 = arith.constant 0 : index
    %get3A_23 = arith.constant 0 : index
    %get3A_24 = vector.load %arg4[%get3A_22, %get3A_23] : memref<128x128xf32, #tpu.memory_space<vmem>>, vector<128x128xf32>
    %dot_general3A = arith.constant dense<0.000000e+00> : vector<1000x128xf32>
    %dot_general3A_25 = tpu.matmul %div3A_21, %get3A_24, %dot_general3A {dimension_numbers = #tpu.dot_dimension_numbers<[1], [1], [0], [0], [0, 0, 1, 0], [], []>, transpose_lhs_hint = false} : vector<1000x128xf32>, vector<128x128xf32>, vector<1000x128xf32> -> vector<1000x128xf32>
    %get3A_26 = arith.constant 0 : index
    %get3A_27 = arith.constant 0 : index
    %get3A_28 = vector.load %arg1[%get3A_26, %get3A_27] : memref<1000x128xf32, #tpu.memory_space<vmem>>, vector<1000x128xf32>
    %add3A_29 = arith.addf %get3A_28, %dot_general3A_25 : vector<1000x128xf32>
    %get3A_30 = arith.constant 0 : index
    %get3A_31 = arith.constant 0 : index
    %get3A_32 = vector.load %arg5[%get3A_30, %get3A_31] : memref<1x128xf32, #tpu.memory_space<vmem>>, vector<1x128xf32>
    %add3A_33 = vector.broadcast %get3A_32 : vector<1x128xf32> to vector<1000x128xf32>
    %add3A_34 = arith.addf %add3A_29, %add3A_33 : vector<1000x128xf32>
    %max3A_35 = arith.constant 0.000000e+00 : f32
    %max3A_36 = vector.broadcast %max3A_35 : f32 to vector<1000x128xf32>
    %max3A_37 = arith.maximumf %add3A_34, %max3A_36 : vector<1000x128xf32>
    %get3A_38 = arith.constant 0 : index
    %get3A_39 = arith.constant 0 : index
    %get3A_40 = vector.load %arg6[%get3A_38, %get3A_39] : memref<1000x1xf32, #tpu.memory_space<vmem>>, vector<1000x1xf32>
    %mul3A = vector.broadcast %get3A_40 : vector<1000x1xf32> to vector<1000x128xf32>
    %mul3A_41 = arith.mulf %max3A_37, %mul3A : vector<1000x128xf32>
    %swap3A = arith.constant 0 : index
    %swap3A_42 = arith.constant 0 : index
    %swap3A_43 = vector.load %arg7[%swap3A, %swap3A_42] : memref<1000x128xf32, #tpu.memory_space<vmem>>, vector<1000x128xf32>
    tpu.vector_store %arg7[%swap3A, %swap3A_42], %mul3A_41 {strides = array<i32>} : memref<1000x128xf32, #tpu.memory_space<vmem>>, vector<1000x128xf32>,
    return
  }
  func.func @transform_0(%arg0: i32) -> (i32, i32) {
    %c0_i32 = arith.constant 0 : i32
    %c0_i32_0 = arith.constant 0 : i32
    return %arg0, %c0_i32 : i32, i32
  }
  func.func @transform_1(%arg0: i32) -> (i32, i32, i32) {
    %c0_i32 = arith.constant 0 : i32
    %c0_i32_0 = arith.constant 0 : i32
    %c0_i32_1 = arith.constant 0 : i32
    return %c0_i32, %arg0, %c0_i32_0 : i32, i32, i32
  }
  func.func @transform_2(%arg0: i32) -> (i32, i32, i32) {
    %c0_i32 = arith.constant 0 : i32
    %c0_i32_0 = arith.constant 0 : i32
    %c0_i32_1 = arith.constant 0 : i32
    return %c0_i32, %arg0, %c0_i32_0 : i32, i32, i32
  }
  func.func @transform_3(%arg0: i32) -> (i32, i32) {
    %c0_i32 = arith.constant 0 : i32
    %c0_i32_0 = arith.constant 0 : i32
    %c0_i32_1 = arith.constant 0 : i32
    return %c0_i32, %c0_i32_0 : i32, i32
  }
  func.func @transform_4(%arg0: i32) -> (i32, i32) {
    %c0_i32 = arith.constant 0 : i32
    %c0_i32_0 = arith.constant 0 : i32
    %c0_i32_1 = arith.constant 0 : i32
    return %c0_i32, %c0_i32_0 : i32, i32
  }
  func.func @transform_5(%arg0: i32) -> (i32, i32) {
    %c0_i32 = arith.constant 0 : i32
    %c0_i32_0 = arith.constant 0 : i32
    return %arg0, %c0_i32 : i32, i32
  }
  func.func @transform_6(%arg0: i32) -> (i32, i32) {
    %c0_i32 = arith.constant 0 : i32
    %c0_i32_0 = arith.constant 0 : i32
    return %arg0, %c0_i32 : i32, i32
  }
}

</mosaic_0001>

<sc_bundles>
// kernel: kernel.6.cloned.1.call-start
scs
__scs_entry_jumppad:
0x0: {  	(pc) =	sbr.rel $0x88, $3  }
0x1: {  	(tag) =	ssettag $0x0;
	lr =	simm.s32 $0x1  }
0x2: {  	[smem:$0x3F98] =	sst lr;
	_ =	strace $0xD0000000  }
0x3: {  	_ = 	snop  }
0x4: {  	_ = 	snop  }
0x5: {  	_ = 	snop  }
0x6: {  	_ = 	snop  }
0x7: {  	_ = 	snop  }
__scs_overlays_trampoline_lowered:
0x8: {  	[smem:$0x3FA7] =	sst s0  }
0x9: {  	[smem:$0x3FA8] =	sst s1  }
0xa: {  	[smem:$0x3FA9] =	sst s2  }
0xb: {  	[smem:$0x3FAA] =	sst s3  }
0xc: {  	[smem:$0x3FAB] =	sst s4  }
0xd: {  	[smem:$0x3FAC] =	sst s5  }
0xe: {  	[smem:$0x3FAD] =	sst s6  }
0xf: {  	[smem:$0x3FAE] =	sst s7  }
0x10: {  	[smem:$0x3FAF] =	sst s8  }
0x11: {  	[smem:$0x3FB0] =	sst s9;
	s0 =	simm.s32 @!p0 $0x0  }
0x12: {  	s1 =	sld [smem:$0x3F96];
	s0 =	simm.s32 @p0 $0x1  }
0x13: {  	[smem:$0x3FB1] =	sst s0;
	s0 =	simm.s32 @!p1 $0x0  }
0x14: {  	s2 =	sld [smem:$0x3F95];
	s0 =	simm.s32 @p1 $0x1  }
0x15: {  	[smem:$0x3FB2] =	sst s0;
	s0 =	simm.s32 @!p2 $0x0  }
0x16: {  	s3 =	sld [smem:$0x3FDB];
	s0 =	simm.s32 @p2 $0x1  }
0x17: {  	s4 =	simm.s32 $0x1BF5;
	[smem:$0x3FB4] =	sst s0  }
0x18: {  	s0 =	sld [smem:$0x3F97];
	_ =	swait.ge [sflag:s4], $0x0  }
0x19: {  	s7 =	sld [smem:$0x3F98]  }
0x1a: {  	s8 =	sadd.s32 $0xFFFFE003, lr  }
0x1b: {  	s9 =	sadd.s32 $0xFFFFFEF7, lr;
	s5 =	simm.s32 $0xFFFFFFFF;
	p2 =	slt.u32 s8, $0xFFFFF086  }
0x1c: {  	p1 =	slt.u32 s9, $0xF7A;
	s5 =	simm.s32 @!p2 $0x0  }
0x1d: {  	s5 =	simm.s32 @p1 $0x1;
	p0 =	seq.s32 s7, s2  }
0x1e: {  	s7 =	smul.u32 @!p0 $0xF7A, s2;
	p2 =	seq.s32 @!p0 s5, $0x0  }
0x1f: {  	s9 =	smul.u32 $0xF7A, s1;
	s8 =	simm.s32 @!p0 $0x1BF5;
	p2 =	por !p2, p0  }
0x20: {  	[sflag:s8] =	ssyncset.s32 @!p0 $0xFFFFF086;
	s6 =	sadd.s32 @!p0 s3, s7;
	s7 =	simm.s32 @!p0 $0x108  }
0x21: {  	s3 =	sadd.s32 s3, s9;
	s6 =	sadd.s32 @!p0 $0x88, s6;
	s7 =	simm.s32 @p2 $0x1082  }
0x22: {  	[simem:s7], [sflag:s8] =	dma.local @!p0 [hbm:s6], $0xF7A  }
0x23: {  	s9 =	sor.u32 $0xD0000000, s2;
	s6 =	simm.s32 $0x108;
	_ =	swait.ge @!p0 [sflag:s8], $0x0  }
0x24: {  	s3 =	sadd.s32 $0x88, s3;
	s6 =	simm.s32 @!p1 $0x1082;
	[sflag:s4] =	ssyncset.s32 $0xFFFFF086  }
0x25: {  	[simem:s6], [sflag:s4] =	dma.local [hbm:s3], $0xF7A  }
0x26: {  	[smem:$0x3F98] =	sst s1;
	(tag) =	ssettag s2;
	_ =	strace s9  }
0x27: {  	s1 =	sld [smem:$0x3FA8]  }
0x28: {  	s2 =	sld [smem:$0x3FA9]  }
0x29: {  	s4 =	sld [smem:$0x3FAB]  }
0x2a: {  	p0 =	seq.s32 s5, $0x0;
	s5 =	sld [smem:$0x3FAC]  }
0x2b: {  	s6 =	sld [smem:$0x3FAD]  }
0x2c: {  	s7 =	sld [smem:$0x3FAE]  }
0x2d: {  	s3 =	simm.s32 $0x108;
	s8 =	sld [smem:$0x3FAF]  }
0x2e: {  	s3 =	simm.s32 @!p0 $0x1082;
	s9 =	sld [smem:$0x3FB0]  }
0x2f: {  	lr =	sadd.s32 s0, s3;
	s0 =	sld [smem:$0x3FA7]  }
0x30: {  	s3 =	sld [smem:$0x3FAA]  }
0x31: {  	[smem:$0x3FB3] =	sst s10  }
0x32: {  	s10 =	sld [smem:$0x3FB1];
	_ =	sdelay $0x3  }
0x33: {  	p0 =	seq.s32 s10, $0x1;
	s10 =	sld [smem:$0x3FB3];
	_ =	sdelay $0x3  }
0x34: {  	[smem:$0x3FB3] =	sst s10  }
0x35: {  	s10 =	sld [smem:$0x3FB2];
	_ =	sdelay $0x3  }
0x36: {  	p1 =	seq.s32 s10, $0x1;
	s10 =	sld [smem:$0x3FB3];
	_ =	sdelay $0x3  }
0x37: {  	[smem:$0x3FB3] =	sst s10  }
0x38: {  	s10 =	sld [smem:$0x3FB4]  }
0x39: {  	_ = 	snop;
	(pc) =	sbr.ind lr, $3  }
0x3a: {  	_ = 	snop  }
0x3b: {  	_ = 	snop  }
0x3c: {  	p2 =	seq.s32 s10, $0x1;
	s10 =	sld [smem:$0x3FB3]  }
0x3d: {  	_ =	shalt  }
0x3e: {  	_ =	shalt  }
0x3f: {  	_ =	shalt  }
0x40: {  	_ =	shalt  }
0x41: {  	_ =	shalt  }
0x42: {  	_ =	shalt  }
0x43: {  	_ =	shalt  }
0x44: {  	_ =	shalt  }
0x45: {  	_ =	shalt  }
0x46: {  	_ =	shalt  }
0x47: {  	_ =	shalt  }
0x48: {  	_ =	shalt  }
0x49: {  	_ =	shalt  }
0x4a: {  	_ =	shalt  }
0x4b: {  	_ =	shalt  }
0x4c: {  	_ =	shalt  }
0x4d: {  	_ =	shalt  }
0x4e: {  	_ =	shalt  }
0x4f: {  	_ =	shalt  }
0x50: {  	_ =	shalt  }
0x51: {  	_ =	shalt  }
0x52: {  	_ =	shalt  }
0x53: {  	_ =	shalt  }
0x54: {  	_ =	shalt  }
0x55: {  	_ =	shalt  }
0x56: {  	_ =	shalt  }
0x57: {  	_ =	shalt  }
0x58: {  	_ =	shalt  }
0x59: {  	_ =	shalt  }
0x5a: {  	_ =	shalt  }
0x5b: {  	_ =	shalt  }
0x5c: {  	_ =	shalt  }
0x5d: {  	_ =	shalt  }
0x5e: {  	_ =	shalt  }
0x5f: {  	_ =	shalt  }
0x60: {  	_ =	shalt  }
0x61: {  	_ =	shalt  }
0x62: {  	_ =	shalt  }
0x63: {  	_ =	shalt  }
0x64: {  	_ =	shalt  }
0x65: {  	_ =	shalt  }
0x66: {  	_ =	shalt  }
0x67: {  	_ =	shalt  }
0x68: {  	_ =	shalt  }
0x69: {  	_ =	shalt  }
0x6a: {  	_ =	shalt  }
0x6b: {  	_ =	shalt  }
0x6c: {  	_ =	shalt  }
0x6d: {  	_ =	shalt  }
0x6e: {  	_ =	shalt  }
0x6f: {  	_ =	shalt  }
0x70: {  	_ =	shalt  }
0x71: {  	_ =	shalt  }
0x72: {  	_ =	shalt  }
0x73: {  	_ =	shalt  }
0x74: {  	_ =	shalt  }
0x75: {  	_ =	shalt  }
0x76: {  	_ =	shalt  }
0x77: {  	_ =	shalt  }
0x78: {  	_ =	shalt  }
0x79: {  	_ =	shalt  }
0x7a: {  	_ =	shalt  }
0x7b: {  	_ =	shalt  }
0x7c: {  	_ =	shalt  }
0x7d: {  	_ =	shalt  }
0x7e: {  	_ =	shalt  }
0x7f: {  	_ =	shalt  }
0x80: {  	_ =	shalt  }
0x81: {  	_ =	shalt  }
0x82: {  	_ =	shalt  }
0x83: {  	_ =	shalt  }
0x84: {  	_ =	shalt  }
0x85: {  	_ =	shalt  }
0x86: {  	_ =	shalt  }
0x87: {  	_ =	shalt  }
.Lfunc_end0:
.L_simem_size_0:
called_computation_lowered:
.L_overlay_start_0:
0x88: {  	s2 =	sld [smem:$0x3FD9]  }
0x89: {  	s3 =	sld [smem:$0x3FFE];
	_ =	sdelay $0x1  }
0x8a: {  	s1 =	srdreg.scid  }
0x8b: {  	s0 =	sand.u32 $0x1, s1  }
0x8c: {  	s14 =	sshll.u32 s0, $0xA;
	s2 =	sadd.s32 s3, s2  }
0x8d: {  	s2 =	sadd.s32 s2, s14  }
0x8e: {  	[smem:$0x3FBF] =	sst s2  }
0x8f: {  	_ = 	snop  }
0x90: {  	s2 =	sld [smem:$0x3FD0];
	_ =	sdelay $0x2  }
0x91: {  	s15 =	simm.s32 $0xA;
	s4 =	simm.s32 $0x10  }
0x92: {  	[smem:s4], [sflag:s15] =	dma.local [hbm:s2], $0x1  }
0x93: {  	_ =	swait.eq [sflag:s15], $0x1  }
0x94: {  	[sflag:s15] =	ssyncset.done $0x0  }
0x95: {  	[sflag:s15] =	ssyncadd.s32 $0xFFFFFFFF  }
0x96: {  	s16 =	sld [smem:$0x10];
	(tm) =	ssettm $0x1  }
0x97: {  	s17 =	sld [smem:$0x3FFB];
	_ =	sdelay $0x3  }
0x98: {  	_ =	strace s17  }
0x99: {  	s3 =	sld [smem:$0x3FFC];
	_ =	sdelay $0x3  }
0x9a: {  	_ =	strace s3  }
0x9b: {  	s3 =	sld [smem:$0x3FFD];
	_ =	sdelay $0x3  }
0x9c: {  	_ =	strace s3  }
0x9d: {  	_ =	strace $0x8FFFFFFF  }
0x9e: {  	s18 =	sld [smem:$0x3FDB];
	_ =	sdelay $0x1  }
0x9f: {  	s19 =	simm.s32 $_scs_section_size  }
0xa0: {  	s5 =	simm.s32 $_size__tile_overlayer_lowered;
	s6 =	simm.s32 $_tile_overlayer_lowered  }
0xa1: {  	s22 =	simm.s32 $0x1BFF;
	s21 =	sshll.u32 s6, $0x1;
	s3 =	sadd.s32 s19, s18  }
0xa2: {  	s7 =	simm.s32 $0x0;
	s20 =	sshll.u32 s5, $0x1;
	s5 =	sadd.s32 s21, s3  }
0xa3: {  	[timem:s7], [sflag:s22] =	dma.local [hbm:s5], s20  }
0xa4: {  	_ =	swait.ge [sflag:s22], s20  }
0xa5: {  	s4 =	ssub.s32 $0x0, s20;
	[sflag:s22] =	ssyncset.done $0x0  }
0xa6: {  	[sflag:s22] =	ssyncadd.s32 s4;
	_ =	sdelay $0x1  }
0xa7: {  	s23 =	simm.s32 $0x1B8B  }
0xa8: {  	_ =	swait.ge [sflag:s23], $0x1  }
0xa9: {  	[sflag:s23] =	ssyncset.done $0x0  }
0xaa: {  	s25 =	simm.s32 $0x1B8E;
	s24 =	sld [smem:$0x3FFE];
	[sflag:s23] =	ssyncadd.s32 $0xFFFFFFFF  }
0xab: {  	s26 =	simm.s32 $execute0_lowered;
	[smem:$0x3FD2] =	sst s25  }
0xac: {  	s5 =	sshll.u32 s26, $0x1;
	_ =	strace $0x80000046;
	[dreg:$0x1] =	wrdreg $0xFFFFFFFF  }
0xad: {  	s28 =	simm.s32 $_size_execute0_lowered;
	s3 =	sadd.s32 s3, s5;
	[dreg:$0x0] =	wrdreg $0x0  }
0xae: {  	s5 =	sshll.u32 s28, $0x1;
	[dreg:$0x2] =	wrdreg s3  }
0xaf: {  	[dreg:$0x3] =	wrdreg s5  }
0xb0: {  	[dreg:$0x4] =	wrdreg $0xC0  }
0xb1: {  	_ =	task [dreg:s7], $0x5FFFF  }
0xb2: {  	[dreg:$0x1] =	wrdreg $0xFFFFFFFF  }
0xb3: {  	[dreg:$0x0] =	wrdreg $0x60  }
0xb4: {  	[dreg:$0x2] =	wrdreg s24  }
0xb5: {  	[dreg:$0x3] =	wrdreg s16  }
0xb6: {  	[dreg:$0x4] =	wrdreg $0x4B100  }
0xb7: {  	[dreg:$0x5] =	wrdreg $0x9  }
0xb8: {  	_ =	task.clear_ibuf [dreg:s7], $0x6FFFF;
	_ =	strace $0x90000046  }
0xb9: {  	s29 =	simm.s32 $0x9;
	_ =	strace $0x80000048  }
0xba: {  	_ =	swait.ge [sflag:s29], $0x1  }
0xbb: {  	[sflag:s29] =	ssyncadd.s32 $0xFFFFFFFF  }
0xbc: {  	_ =	strace $0x90000048  }
0xbd: {  	_ =	sfence  }
0xbe: {  	s30 =	sld [smem:$0x0];
	_ =	sdelay $0x2  }
0xbf: {  	s31 =	sshll.u32 s1, $0xD;
	s1 =	sshrl.u32 s1, $0x2  }
0xc0: {  	s3 =	sand.u32 $0x4000, s31;
	s1 =	sadd.s32 s1, s30  }
0xc1: {  	s0 =	sor.u32 s3, s0;
	s1 =	sshll.u32 s1, $0x11  }
0xc2: {  	s0 =	sor.u32 s1, s0  }
0xc3: {  	s0 =	sadd.s32 $0x8F2B, s0  }
0xc4: {  	[sflag:s0] =	ssyncadd.remote.s32 $0x1  }
0xc5: {  	_ =	sfence.sel $0xFFFF  }
0xc6: {  	[dreg:$0x0] =	wrdreg $0xFFFFFFFF;
	(pc) =	sbr.abs _section_cstart, $3  }
0xc7: {  	[dreg:$0x1] =	wrdreg $0xFFFFFFFF  }
0xc8: {  	_ =	task.clear_ibuf [dreg:s7], $0x2FFFF;
	_ =	strace $0x9FFFFFFF  }
0xc9: {  	(tm) =	ssettm $0x7FFFFFFF  }
tec
execute0_lowered:
.L_overlay_start_1:
0x0: {  	(tag) =	ssettag $0x1  }
0x1: {  	s5 =	rddreg [dreg:$0x0]  }
0x2: {  	s0 =	srdreg.scid;
	s17 =	rddreg [dreg:$0x1]  }
0x3: {  	s2 =	rddreg [dreg:$0x2];
	s1 =	stileid.u32;
	s3 =	simm.s32 $0x0  }
0x4: {  	s21 =	simm.s32 $0x2C10;
	s22 =	simm.s32 $0x2710;
	s23 =	simm.s32 $0x50  }
0x5: {  	s24 =	simm.s32 $0x3110;
	s8 =	sand.u32 $0x1, s0;
	s0 =	rddreg [dreg:$0x3]  }
0x6: {  	[smem:$0x7FF] =	sst s3;
	s13 =	smul.u32 $0x5000, s1;
	s4 =	sshll.u32 s8, $0x4  }
0x7: {  	_ =	strace $0x80000047;
	s6 =	ssub.s32 $0x2, s8;
	s20 =	smul.u32 $0x50000, s8  }
0x8: {  	s12 =	sor.u32 s1, s4;
	s7 =	sshrl.u32 s6, $0x1;
	s14 =	sadd.s32 $0x1000, s13  }
0x9: {  	s15 =	sadd.s32 $0x2000, s13;
	s16 =	sadd.s32 $0x3000, s13;
	s19 =	sadd.s32 $0x4000, s13  }
0xa: {  	s4 =	smul.u32 $0x4E2, s12;
	s18 =	ssub.s32 s6, s7;
	s6 =	sadd.s32 s13, s2  }
0xb: {  	s7 =	sadd.s32 s14, s2;
	s8 =	sadd.s32 s15, s2;
	s9 =	sadd.s32 s16, s2  }
0xc: {  	s10 =	sadd.s32 s19, s2;
	s13 =	sadd.s32 s13, s20;
	s14 =	sadd.s32 s20, s14  }
0xd: {  	s12 =	smul.u32 $0x27100, s12;
	s15 =	sadd.s32 s20, s15;
	s16 =	sadd.s32 s20, s16  }
0xe: {  	s19 =	sadd.s32 s20, s19;
	s20 =	simm.s32 $0x1;
	s13 =	sshrl.u32 s13, $0x3  }
0xf: {  	s14 =	sshrl.u32 s14, $0x3;
	s15 =	sshrl.u32 s15, $0x3;
	s16 =	sshrl.u32 s16, $0x3  }
0x10: {  	s19 =	sshrl.u32 s19, $0x3;
	s18 =	smax.u32 s18, $0x1;
	s11 =	sadd.s32 s4, s5  }
0x11: {  	s4 =	sadd.s32 $0x595400, s5;
	s5 =	sadd.s32 $0x4F9000, s5;
	s13 =	sadd.s32 s17, s13  }
0x12: {  	v0 =	vimm.f32 $0.0e+00;
	vm0 =	vcmask $0x300;
	s14 =	sadd.s32 s17, s14;
	s15 =	sadd.s32 s17, s15;
	s16 =	sadd.s32 s17, s16  }
0x13: {  	v1 =	vsel vm0, $0x3F800000, v0;
	s17 =	sadd.s32 s17, s19;
	s19 =	simm.s32 $0x3B10;
	s11 =	sadd.s32 $0xD200, s11  }
.LBB2_1:
0x14: {  	s25 =	simm.s32 $0x80;
	s26 =	simm.s32 $0x0  }
.LBB2_2:
0x15: {  	p0 =	sne.s32 s25, $0x3F80;
	[tilespmem:s26+$0x3B10] =	vst v0;
	s28 =	smov.u32 s25;
	s25 =	sadd.s32 $0x80, s25  }
.Ltmp0:
0x16: {  	[tilespmem:s26+$0x3B20] =	vst v0;
	(pc) =	sbr.rel @p0 .LBB2_2-.Ltmp0, $2  }
0x17: {  	_ =	sdelay $0x2  }
0x18: {  	s26 =	sshra.s32 s28, $0x2  }
0x19: {  	[tilespmem:s26+$0x3B10] =	vst v0  }
0x1a: {  	[tilespmem:s26+$0x3B20] =	vst v0  }
0x1b: {  	[spmem:s6] =	stream.linear.scatter [tilespmem:s19], [sflag:$0x1], $0x1000, $0x38;
	[tilespmem:$0x9B10] =	vst v63  }
0x1c: {  	_ =	swait.ge [sflag:s20], $0x1000  }
0x1d: {  	[sflag:s20] =	ssyncset.done $0x0  }
0x1e: {  	[sflag:s20] =	ssyncadd.s32 $0xFFFFF000  }
0x1f: {  	[spmem:s7] =	stream.linear.scatter [tilespmem:s19], [sflag:$0x1], $0x1000, $0x38;
	[tilespmem:$0x9B10] =	vst v63  }
0x20: {  	_ =	swait.ge [sflag:s20], $0x1000  }
0x21: {  	[sflag:s20] =	ssyncset.done $0x0  }
0x22: {  	[sflag:s20] =	ssyncadd.s32 $0xFFFFF000  }
0x23: {  	[spmem:s8] =	stream.linear.scatter [tilespmem:s19], [sflag:$0x1], $0x1000, $0x38;
	[tilespmem:$0x9B10] =	vst v63  }
0x24: {  	_ =	swait.ge [sflag:s20], $0x1000  }
0x25: {  	[sflag:s20] =	ssyncset.done $0x0  }
0x26: {  	[sflag:s20] =	ssyncadd.s32 $0xFFFFF000  }
0x27: {  	[spmem:s9] =	stream.linear.scatter [tilespmem:s19], [sflag:$0x1], $0x1000, $0x38;
	[tilespmem:$0x9B10] =	vst v63  }
0x28: {  	_ =	swait.ge [sflag:s20], $0x1000  }
0x29: {  	[sflag:s20] =	ssyncset.done $0x0  }
0x2a: {  	[sflag:s20] =	ssyncadd.s32 $0xFFFFF000  }
0x2b: {  	[spmem:s10] =	stream.linear.scatter [tilespmem:s19], [sflag:$0x1], $0x1000, $0x38;
	[tilespmem:$0x9B10] =	vst v63  }
0x2c: {  	_ =	swait.ge [sflag:s20], $0x1000  }
0x2d: {  	[sflag:s20] =	ssyncset.done $0x0  }
0x2e: {  	[sflag:s20] =	ssyncadd.s32 $0xFFFFF000  }
0x2f: {  	s25 =	simm.s32 $0x0;
	[bflag:$0x0] =	sbarrier.arrive $0xFFFF  }
0x30: {  	[tilespmem:s25], [sflag:$0x1] =	stream.linear.gather [hbm4b:s11+s25], $0x2710, $0x38;
	[tilespmem:$0x9B10] =	vst v63  }
0x31: {  	_ =	swait.ge [sflag:s20], $0x2710  }
0x32: {  	[sflag:s20] =	ssyncset.done $0x0  }
0x33: {  	s26 =	simm.s32 $0x0;
	[sflag:s20] =	ssyncadd.s32 $0xFFFFD8F0  }
.LBB2_4:
0x34: {  	s28 =	smul.u32 $0x500, s26;
	_ =	sdelay $0x1  }
0x35: {  	s28 =	sadd.s32 s12, s28  }
0x36: {  	s28 =	sshrl.u32 s28, $0x3  }
0x37: {  	s29 =	sadd.s32 s4, s28  }
0x38: {  	[tilespmem:s21], [sflag:$0x1] =	stream.linear.gather [hbm4b:s29+s25], $0x500, $0x38;
	[tilespmem:$0x9B10] =	vst v63  }
0x39: {  	_ =	swait.ge [sflag:s20], $0x500  }
0x3a: {  	[sflag:s20] =	ssyncset.done $0x0  }
0x3b: {  	s28 =	sadd.s32 s5, s28;
	[sflag:s20] =	ssyncadd.s32 $0xFFFFFB00  }
0x3c: {  	[tilespmem:s22], [sflag:$0x1] =	stream.linear.gather [hbm4b:s28+s25], $0x500, $0x38;
	[tilespmem:$0x9B10] =	vst v63  }
0x3d: {  	_ =	swait.ge [sflag:s20], $0x500  }
0x3e: {  	[sflag:s20] =	ssyncset.done $0x0  }
0x3f: {  	s30 =	simm.s32 $0x0;
	[sflag:s20] =	ssyncadd.s32 $0xFFFFFB00  }
0x40: {  	s29 =	simm.s32 $0x40;
	s28 =	simm.s32 $0x3120;
	v2 =	vld [tilespmem:s30+$0x2710]  }
.LBB2_5:
0x41: {  	p0 =	sne.s32 s29, $0x13C0;
	v3 =	vld [tilespmem:s30+$0x2C10];
	[tilespmem:s28+$0x0] =	vst v1;
	_ =	sdelay $0x3  }
.Ltmp1:
0x42: {  	(pc) =	sbr.rel @p0 .LBB2_5-.Ltmp1, $3  }
0x43: {  	v2 =	vmul.f32 v3, v2;
	_ =	sdelay $0x1  }
0x44: {  	s30 =	sshra.s32 s29, $0x2;
	[tilespmem:s28+$0xFFFFFFF0] =	vst v2  }
0x45: {  	s29 =	sadd.s32 $0x40, s29;
	s28 =	sadd.s32 $0x20, s28;
	v2 =	vld [tilespmem:s30+$0x2710]  }
0x46: {  	v3 =	vld [tilespmem:s30+$0x2C10];
	_ =	sdelay $0x4  }
0x47: {  	s29 =	smul.u32 $0x140, s26;
	s26 =	sadd.s32 $0x1, s26;
	v2 =	vmul.f32 v3, v2  }
0x48: {  	[tilespmem:s28+$0x0] =	vst v1;
	p0 =	sne.s32 s26, $0x7D  }
.Ltmp2:
0x49: {  	s31 =	sshra.s32 s29, $0x2;
	[tilespmem:s28+$0xFFFFFFF0] =	vst v2;
	(pc) =	sbr.rel @p0 .LBB2_4-.Ltmp2, $4  }
0x4a: {  	[spmem:s2] =	stream.indirect.scatter.add.f32 [tilespmem:s24], [sflag:$0x1], $0x20, s31, s23, $0xb8;
	[tilespmem:$0x9B10] =	vst v63  }
0x4b: {  	_ =	swait.ge [sflag:s20], $0xA00  }
0x4c: {  	[sflag:s20] =	ssyncset.done $0x0  }
0x4d: {  	[sflag:s20] =	ssyncadd.s32 $0xFFFFF600  }
0x4e: {  	s25 =	sshll.u32 s1, $0x6  }
0x4f: {  	[bflag:$0x0] =	sbarrier.arrive $0xFFFF;
	s26 =	sshrl.u32 s6, $0x3;
	s25 =	sor.u32 $0x1C01, s25  }
0x50: {  	[hbm:s13], [sflag:s25] =	dma.local [spmem:s26], $0x200  }
0x51: {  	_ =	swait.ge [sflag:s20], $0x200  }
0x52: {  	[sflag:s20] =	ssyncset.done $0x0  }
0x53: {  	s28 =	sshrl.u32 s7, $0x3;
	[sflag:s20] =	ssyncadd.s32 $0xFFFFFE00  }
0x54: {  	[hbm:s14], [sflag:s25] =	dma.local [spmem:s28], $0x200  }
0x55: {  	_ =	swait.ge [sflag:s20], $0x200  }
0x56: {  	[sflag:s20] =	ssyncset.done $0x0  }
0x57: {  	s29 =	sshrl.u32 s8, $0x3;
	[sflag:s20] =	ssyncadd.s32 $0xFFFFFE00  }
0x58: {  	[hbm:s15], [sflag:s25] =	dma.local [spmem:s29], $0x200  }
0x59: {  	_ =	swait.ge [sflag:s20], $0x200  }
0x5a: {  	[sflag:s20] =	ssyncset.done $0x0  }
0x5b: {  	s30 =	sshrl.u32 s9, $0x3;
	[sflag:s20] =	ssyncadd.s32 $0xFFFFFE00  }
0x5c: {  	[hbm:s16], [sflag:s25] =	dma.local [spmem:s30], $0x200  }
0x5d: {  	s3 =	sadd.s32 $0x1, s3;
	_ =	swait.ge [sflag:s20], $0x200  }
0x5e: {  	p0 =	sne.s32 s3, s18;
	[sflag:s20] =	ssyncset.done $0x0  }
.Ltmp3:
0x5f: {  	s31 =	sshrl.u32 s10, $0x3;
	[sflag:s20] =	ssyncadd.s32 $0xFFFFFE00;
	(pc) =	sbr.rel @p0 .LBB2_1-.Ltmp3, $4  }
0x60: {  	[hbm:s17], [sflag:s25] =	dma.local [spmem:s31], $0x200  }
0x61: {  	_ =	swait.ge [sflag:s20], $0x200  }
0x62: {  	[sflag:s20] =	ssyncset.done $0x0  }
0x63: {  	[sflag:s20] =	ssyncadd.s32 $0xFFFFFE00  }
0x64: {  	_ =	sfence.sel $0x180000  }
0x65: {  	[bflag:$0x0] =	sbarrier.arrive $0xFFFF  }
0x66: {  	p0 =	sne.s32 s1, $0x0;
	_ =	strace $0x90000047  }
0x67: {  	s0 =	sadd.s32 @!p0 $0x100000, s0;
	[bflag:$0x2] =	sbarrier.arrive $0xFFFF  }
0x68: {  	[sflag:s0] =	ssyncadd.tile.s32 @!p0 $0x1;
	_ =	shalt  }
.Lfunc_end2:
_tile_overlayer_lowered:
.L_overlay_start_2:
0x69: {  	(tag) =	ssettag $0x2  }
0x6a: {  	s0 =	rddreg [dreg:$0x0];
	s2 =	stileid.u32  }
0x6b: {  	s1 =	rddreg [dreg:$0x1];
	p0 =	sne.s32 s2, $0x0  }
0x6c: {  	s3 =	rddreg [dreg:$0x2];
	[bflag:$0x3] =	sbarrier.arrive $0xFFFF;
	s2 =	simm.s32 @!p0 $0x1C01  }
0x6d: {  	[timem:s3], [sflag:s2] =	dma.local @!p0 [hbm:s0], s1  }
0x6e: {  	s0 =	simm.s32 @!p0 $0x1  }
0x6f: {  	_ =	swait.ge @!p0 [sflag:s0], s1  }
0x70: {  	s1 =	ssub.s32 @!p0 $0x0, s1;
	[sflag:s0] =	ssyncset.done @!p0 $0x0  }
0x71: {  	[sflag:s0] =	ssyncadd.s32 @!p0 s1  }
0x72: {  	[bflag:$0x3] =	sbarrier.arrive $0xFFFF  }
0x73: {  	_ =	shalt  }

// kernel: kernel.9.cloned.1.call-start
scs
__scs_entry_jumppad:
0x0: {  	(pc) =	sbr.rel $0x88, $3  }
0x1: {  	(tag) =	ssettag $0x0;
	lr =	simm.s32 $0x1  }
0x2: {  	[smem:$0x3F98] =	sst lr;
	_ =	strace $0xD0000000  }
0x3: {  	_ = 	snop  }
0x4: {  	_ = 	snop  }
0x5: {  	_ = 	snop  }
0x6: {  	_ = 	snop  }
0x7: {  	_ = 	snop  }
__scs_overlays_trampoline_lowered:
0x8: {  	[smem:$0x3FA7] =	sst s0  }
0x9: {  	[smem:$0x3FA8] =	sst s1  }
0xa: {  	[smem:$0x3FA9] =	sst s2  }
0xb: {  	[smem:$0x3FAA] =	sst s3  }
0xc: {  	[smem:$0x3FAB] =	sst s4  }
0xd: {  	[smem:$0x3FAC] =	sst s5  }
0xe: {  	[smem:$0x3FAD] =	sst s6  }
0xf: {  	[smem:$0x3FAE] =	sst s7  }
0x10: {  	[smem:$0x3FAF] =	sst s8  }
0x11: {  	[smem:$0x3FB0] =	sst s9;
	s0 =	simm.s32 @!p0 $0x0  }
0x12: {  	s1 =	sld [smem:$0x3F96];
	s0 =	simm.s32 @p0 $0x1  }
0x13: {  	[smem:$0x3FB1] =	sst s0;
	s0 =	simm.s32 @!p1 $0x0  }
0x14: {  	s2 =	sld [smem:$0x3F95];
	s0 =	simm.s32 @p1 $0x1  }
0x15: {  	[smem:$0x3FB2] =	sst s0;
	s0 =	simm.s32 @!p2 $0x0  }
0x16: {  	s3 =	sld [smem:$0x3FDB];
	s0 =	simm.s32 @p2 $0x1  }
0x17: {  	s4 =	simm.s32 $0x1BF5;
	[smem:$0x3FB4] =	sst s0  }
0x18: {  	s0 =	sld [smem:$0x3F97];
	_ =	swait.ge [sflag:s4], $0x0  }
0x19: {  	s7 =	sld [smem:$0x3F98]  }
0x1a: {  	s8 =	sadd.s32 $0xFFFFE003, lr  }
0x1b: {  	s9 =	sadd.s32 $0xFFFFFEF7, lr;
	s5 =	simm.s32 $0xFFFFFFFF;
	p2 =	slt.u32 s8, $0xFFFFF086  }
0x1c: {  	p1 =	slt.u32 s9, $0xF7A;
	s5 =	simm.s32 @!p2 $0x0  }
0x1d: {  	s5 =	simm.s32 @p1 $0x1;
	p0 =	seq.s32 s7, s2  }
0x1e: {  	s7 =	smul.u32 @!p0 $0xF7A, s2;
	p2 =	seq.s32 @!p0 s5, $0x0  }
0x1f: {  	s9 =	smul.u32 $0xF7A, s1;
	s8 =	simm.s32 @!p0 $0x1BF5;
	p2 =	por !p2, p0  }
0x20: {  	[sflag:s8] =	ssyncset.s32 @!p0 $0xFFFFF086;
	s6 =	sadd.s32 @!p0 s3, s7;
	s7 =	simm.s32 @!p0 $0x108  }
0x21: {  	s3 =	sadd.s32 s3, s9;
	s6 =	sadd.s32 @!p0 $0x88, s6;
	s7 =	simm.s32 @p2 $0x1082  }
0x22: {  	[simem:s7], [sflag:s8] =	dma.local @!p0 [hbm:s6], $0xF7A  }
0x23: {  	s9 =	sor.u32 $0xD0000000, s2;
	s6 =	simm.s32 $0x108;
	_ =	swait.ge @!p0 [sflag:s8], $0x0  }
0x24: {  	s3 =	sadd.s32 $0x88, s3;
	s6 =	simm.s32 @!p1 $0x1082;
	[sflag:s4] =	ssyncset.s32 $0xFFFFF086  }
0x25: {  	[simem:s6], [sflag:s4] =	dma.local [hbm:s3], $0xF7A  }
0x26: {  	[smem:$0x3F98] =	sst s1;
	(tag) =	ssettag s2;
	_ =	strace s9  }
0x27: {  	s1 =	sld [smem:$0x3FA8]  }
0x28: {  	s2 =	sld [smem:$0x3FA9]  }
0x29: {  	s4 =	sld [smem:$0x3FAB]  }
0x2a: {  	p0 =	seq.s32 s5, $0x0;
	s5 =	sld [smem:$0x3FAC]  }
0x2b: {  	s6 =	sld [smem:$0x3FAD]  }
0x2c: {  	s7 =	sld [smem:$0x3FAE]  }
0x2d: {  	s3 =	simm.s32 $0x108;
	s8 =	sld [smem:$0x3FAF]  }
0x2e: {  	s3 =	simm.s32 @!p0 $0x1082;
	s9 =	sld [smem:$0x3FB0]  }
0x2f: {  	lr =	sadd.s32 s0, s3;
	s0 =	sld [smem:$0x3FA7]  }
0x30: {  	s3 =	sld [smem:$0x3FAA]  }
0x31: {  	[smem:$0x3FB3] =	sst s10  }
0x32: {  	s10 =	sld [smem:$0x3FB1];
	_ =	sdelay $0x3  }
0x33: {  	p0 =	seq.s32 s10, $0x1;
	s10 =	sld [smem:$0x3FB3];
	_ =	sdelay $0x3  }
0x34: {  	[smem:$0x3FB3] =	sst s10  }
0x35: {  	s10 =	sld [smem:$0x3FB2];
	_ =	sdelay $0x3  }
0x36: {  	p1 =	seq.s32 s10, $0x1;
	s10 =	sld [smem:$0x3FB3];
	_ =	sdelay $0x3  }
0x37: {  	[smem:$0x3FB3] =	sst s10  }
0x38: {  	s10 =	sld [smem:$0x3FB4]  }
0x39: {  	_ = 	snop;
	(pc) =	sbr.ind lr, $3  }
0x3a: {  	_ = 	snop  }
0x3b: {  	_ = 	snop  }
0x3c: {  	p2 =	seq.s32 s10, $0x1;
	s10 =	sld [smem:$0x3FB3]  }
0x3d: {  	_ =	shalt  }
0x3e: {  	_ =	shalt  }
0x3f: {  	_ =	shalt  }
0x40: {  	_ =	shalt  }
0x41: {  	_ =	shalt  }
0x42: {  	_ =	shalt  }
0x43: {  	_ =	shalt  }
0x44: {  	_ =	shalt  }
0x45: {  	_ =	shalt  }
0x46: {  	_ =	shalt  }
0x47: {  	_ =	shalt  }
0x48: {  	_ =	shalt  }
0x49: {  	_ =	shalt  }
0x4a: {  	_ =	shalt  }
0x4b: {  	_ =	shalt  }
0x4c: {  	_ =	shalt  }
0x4d: {  	_ =	shalt  }
0x4e: {  	_ =	shalt  }
0x4f: {  	_ =	shalt  }
0x50: {  	_ =	shalt  }
0x51: {  	_ =	shalt  }
0x52: {  	_ =	shalt  }
0x53: {  	_ =	shalt  }
0x54: {  	_ =	shalt  }
0x55: {  	_ =	shalt  }
0x56: {  	_ =	shalt  }
0x57: {  	_ =	shalt  }
0x58: {  	_ =	shalt  }
0x59: {  	_ =	shalt  }
0x5a: {  	_ =	shalt  }
0x5b: {  	_ =	shalt  }
0x5c: {  	_ =	shalt  }
0x5d: {  	_ =	shalt  }
0x5e: {  	_ =	shalt  }
0x5f: {  	_ =	shalt  }
0x60: {  	_ =	shalt  }
0x61: {  	_ =	shalt  }
0x62: {  	_ =	shalt  }
0x63: {  	_ =	shalt  }
0x64: {  	_ =	shalt  }
0x65: {  	_ =	shalt  }
0x66: {  	_ =	shalt  }
0x67: {  	_ =	shalt  }
0x68: {  	_ =	shalt  }
0x69: {  	_ =	shalt  }
0x6a: {  	_ =	shalt  }
0x6b: {  	_ =	shalt  }
0x6c: {  	_ =	shalt  }
0x6d: {  	_ =	shalt  }
0x6e: {  	_ =	shalt  }
0x6f: {  	_ =	shalt  }
0x70: {  	_ =	shalt  }
0x71: {  	_ =	shalt  }
0x72: {  	_ =	shalt  }
0x73: {  	_ =	shalt  }
0x74: {  	_ =	shalt  }
0x75: {  	_ =	shalt  }
0x76: {  	_ =	shalt  }
0x77: {  	_ =	shalt  }
0x78: {  	_ =	shalt  }
0x79: {  	_ =	shalt  }
0x7a: {  	_ =	shalt  }
0x7b: {  	_ =	shalt  }
0x7c: {  	_ =	shalt  }
0x7d: {  	_ =	shalt  }
0x7e: {  	_ =	shalt  }
0x7f: {  	_ =	shalt  }
0x80: {  	_ =	shalt  }
0x81: {  	_ =	shalt  }
0x82: {  	_ =	shalt  }
0x83: {  	_ =	shalt  }
0x84: {  	_ =	shalt  }
0x85: {  	_ =	shalt  }
0x86: {  	_ =	shalt  }
0x87: {  	_ =	shalt  }
.Lfunc_end0:
.L_simem_size_0:
called_computation.1_lowered:
.L_overlay_start_0:
0x88: {  	s2 =	sld [smem:$0x3FD9]  }
0x89: {  	s3 =	sld [smem:$0x3FFE];
	_ =	sdelay $0x1  }
0x8a: {  	s1 =	srdreg.scid  }
0x8b: {  	s0 =	sand.u32 $0x1, s1  }
0x8c: {  	s14 =	sshll.u32 s0, $0xA;
	s2 =	sadd.s32 s3, s2  }
0x8d: {  	s2 =	sadd.s32 s2, s14  }
0x8e: {  	[smem:$0x3FBF] =	sst s2  }
0x8f: {  	_ = 	snop  }
0x90: {  	s2 =	sld [smem:$0x3FD0];
	_ =	sdelay $0x2  }
0x91: {  	s15 =	simm.s32 $0xA;
	s4 =	simm.s32 $0x10  }
0x92: {  	[smem:s4], [sflag:s15] =	dma.local [hbm:s2], $0x1  }
0x93: {  	_ =	swait.eq [sflag:s15], $0x1  }
0x94: {  	[sflag:s15] =	ssyncset.done $0x0  }
0x95: {  	[sflag:s15] =	ssyncadd.s32 $0xFFFFFFFF  }
0x96: {  	s16 =	sld [smem:$0x10];
	(tm) =	ssettm $0x1  }
0x97: {  	s17 =	sld [smem:$0x3FFB];
	_ =	sdelay $0x3  }
0x98: {  	_ =	strace s17  }
0x99: {  	s3 =	sld [smem:$0x3FFC];
	_ =	sdelay $0x3  }
0x9a: {  	_ =	strace s3  }
0x9b: {  	s3 =	sld [smem:$0x3FFD];
	_ =	sdelay $0x3  }
0x9c: {  	_ =	strace s3  }
0x9d: {  	_ =	strace $0x8FFFFFFF  }
0x9e: {  	s18 =	sld [smem:$0x3FDB];
	_ =	sdelay $0x1  }
0x9f: {  	s19 =	simm.s32 $_scs_section_size  }
0xa0: {  	s5 =	simm.s32 $_size__tile_overlayer_lowered;
	s6 =	simm.s32 $_tile_overlayer_lowered  }
0xa1: {  	s22 =	simm.s32 $0x1BFF;
	s21 =	sshll.u32 s6, $0x1;
	s3 =	sadd.s32 s19, s18  }
0xa2: {  	s7 =	simm.s32 $0x0;
	s20 =	sshll.u32 s5, $0x1;
	s5 =	sadd.s32 s21, s3  }
0xa3: {  	[timem:s7], [sflag:s22] =	dma.local [hbm:s5], s20  }
0xa4: {  	_ =	swait.ge [sflag:s22], s20  }
0xa5: {  	s4 =	ssub.s32 $0x0, s20;
	[sflag:s22] =	ssyncset.done $0x0  }
0xa6: {  	[sflag:s22] =	ssyncadd.s32 s4;
	_ =	sdelay $0x1  }
0xa7: {  	s23 =	simm.s32 $0x1B8B  }
0xa8: {  	_ =	swait.ge [sflag:s23], $0x1  }
0xa9: {  	[sflag:s23] =	ssyncset.done $0x0  }
0xaa: {  	s25 =	simm.s32 $0x1B8E;
	s24 =	sld [smem:$0x3FFE];
	[sflag:s23] =	ssyncadd.s32 $0xFFFFFFFF  }
0xab: {  	s26 =	simm.s32 $execute0_lowered;
	[smem:$0x3FD2] =	sst s25  }
0xac: {  	s5 =	sshll.u32 s26, $0x1;
	_ =	strace $0x80000049;
	[dreg:$0x1] =	wrdreg $0xFFFFFFFF  }
0xad: {  	s28 =	simm.s32 $_size_execute0_lowered;
	s3 =	sadd.s32 s3, s5;
	[dreg:$0x0] =	wrdreg $0x0  }
0xae: {  	s5 =	sshll.u32 s28, $0x1;
	[dreg:$0x2] =	wrdreg s3  }
0xaf: {  	[dreg:$0x3] =	wrdreg s5  }
0xb0: {  	[dreg:$0x4] =	wrdreg $0xC0  }
0xb1: {  	_ =	task [dreg:s7], $0x5FFFF  }
0xb2: {  	[dreg:$0x1] =	wrdreg $0xFFFFFFFF  }
0xb3: {  	[dreg:$0x0] =	wrdreg $0x60  }
0xb4: {  	[dreg:$0x2] =	wrdreg s24  }
0xb5: {  	[dreg:$0x3] =	wrdreg s16  }
0xb6: {  	[dreg:$0x4] =	wrdreg $0xD5400  }
0xb7: {  	[dreg:$0x5] =	wrdreg $0x9  }
0xb8: {  	_ =	task.clear_ibuf [dreg:s7], $0x6FFFF;
	_ =	strace $0x90000049  }
0xb9: {  	s29 =	simm.s32 $0x9;
	_ =	strace $0x8000004B  }
0xba: {  	_ =	swait.ge [sflag:s29], $0x1  }
0xbb: {  	[sflag:s29] =	ssyncadd.s32 $0xFFFFFFFF  }
0xbc: {  	_ =	strace $0x9000004B  }
0xbd: {  	_ =	sfence  }
0xbe: {  	s30 =	sld [smem:$0x0];
	_ =	sdelay $0x2  }
0xbf: {  	s31 =	sshll.u32 s1, $0xD;
	s1 =	sshrl.u32 s1, $0x2  }
0xc0: {  	s3 =	sand.u32 $0x4000, s31;
	s1 =	sadd.s32 s1, s30  }
0xc1: {  	s0 =	sor.u32 s3, s0;
	s1 =	sshll.u32 s1, $0x11  }
0xc2: {  	s0 =	sor.u32 s1, s0  }
0xc3: {  	s0 =	sadd.s32 $0x8F2B, s0  }
0xc4: {  	[sflag:s0] =	ssyncadd.remote.s32 $0x1  }
0xc5: {  	_ =	sfence.sel $0xFFFF  }
0xc6: {  	[dreg:$0x0] =	wrdreg $0xFFFFFFFF;
	(pc) =	sbr.abs _section_cstart, $3  }
0xc7: {  	[dreg:$0x1] =	wrdreg $0xFFFFFFFF  }
0xc8: {  	_ =	task.clear_ibuf [dreg:s7], $0x2FFFF;
	_ =	strace $0x9FFFFFFF  }
0xc9: {  	(tm) =	ssettm $0x7FFFFFFF  }
tec
execute0_lowered:
.L_overlay_start_1:
0x0: {  	(tag) =	ssettag $0x1  }
0x1: {  	s0 =	rddreg [dreg:$0x0]  }
0x2: {  	s1 =	rddreg [dreg:$0x1]  }
0x3: {  	s2 =	rddreg [dreg:$0x2]  }
0x4: {  	s3 =	simm.s32 $0x0;
	s21 =	stileid.u32;
	s5 =	srdreg.scid  }
0x5: {  	s23 =	simm.s32 $0x50;
	s24 =	simm.s32 $0xA140;
	s4 =	smul.u32 $0x9C4, s21  }
0x6: {  	[smem:$0x7FF] =	sst s3;
	s10 =	sand.u32 $0x1, s5;
	s12 =	smul.u32 $0xA000, s21  }
0x7: {  	_ =	strace $0x8000004A;
	s5 =	ssub.s32 $0x2, s10;
	s20 =	smul.u32 $0xA0000, s10  }
0x8: {  	s14 =	smul.u32 $0x13880, s10;
	s11 =	sadd.s32 s4, s0;
	s4 =	sadd.s32 $0x631800, s0  }
0x9: {  	s0 =	sadd.s32 $0x67000, s0;
	s6 =	sshrl.u32 s5, $0x1;
	s13 =	sadd.s32 $0x2000, s12  }
0xa: {  	s16 =	sadd.s32 $0x4000, s12;
	s17 =	sadd.s32 $0x6000, s12;
	s18 =	sadd.s32 $0x8000, s12  }
0xb: {  	s19 =	ssub.s32 s5, s6;
	s5 =	sadd.s32 s12, s2;
	s6 =	sadd.s32 s13, s2  }
0xc: {  	s7 =	sadd.s32 s16, s2;
	s8 =	sadd.s32 s17, s2;
	s9 =	sadd.s32 s18, s2  }
0xd: {  	s10 =	sadd.s32 $0x3400, s11;
	s11 =	sadd.s32 $0xD200, s11;
	s15 =	sadd.s32 s12, s20  }
0xe: {  	s12 =	sadd.s32 s1, s14;
	s26 =	sadd.s32 s20, s13;
	s13 =	smul.u32 $0x4E200, s21  }
0xf: {  	s29 =	sadd.s32 s20, s16;
	s30 =	sadd.s32 s20, s17;
	s18 =	sadd.s32 s20, s18  }
0x10: {  	s20 =	simm.s32 $0xB540;
	s21 =	simm.s32 $0x2;
	s25 =	sshrl.u32 s15, $0x3  }
0x11: {  	s28 =	sshrl.u32 s26, $0x3;
	s1 =	sshrl.u32 s29, $0x3;
	s17 =	sshrl.u32 s30, $0x3  }
0x12: {  	s31 =	sshrl.u32 s18, $0x3;
	s19 =	smax.u32 s19, $0x1;
	s26 =	simm.s32 $0x9C40  }
0x13: {  	s14 =	sadd.s32 s0, s25;
	s15 =	sadd.s32 s0, s28;
	s16 =	sadd.s32 s0, s1  }
0x14: {  	v0 =	vimm.f32 $0.0e+00;
	s17 =	sadd.s32 s0, s17;
	s18 =	sadd.s32 s0, s31;
	s25 =	simm.s32 $0x1  }
.LBB2_1:
0x15: {  	s1 =	simm.s32 $0x100;
	s0 =	simm.s32 $0x0  }
.LBB2_2:
0x16: {  	p0 =	sne.s32 s1, $0x7F00;
	[tilespmem:s0+$0xB570] =	vst v0;
	s28 =	smov.u32 s1;
	s1 =	sadd.s32 $0x100, s1  }
.Ltmp0:
0x17: {  	[tilespmem:s0+$0xB560] =	vst v0;
	(pc) =	sbr.rel @p0 .LBB2_2-.Ltmp0, $3  }
0x18: {  	[tilespmem:s0+$0xB540] =	vst v0  }
0x19: {  	[tilespmem:s0+$0xB550] =	vst v0;
	_ =	sdelay $0x1  }
0x1a: {  	s0 =	sshra.s32 s28, $0x2  }
0x1b: {  	[tilespmem:s0+$0xB570] =	vst v0  }
0x1c: {  	[tilespmem:s0+$0xB560] =	vst v0  }
0x1d: {  	[tilespmem:s0+$0xB540] =	vst v0  }
0x1e: {  	[tilespmem:s0+$0xB550] =	vst v0  }
0x1f: {  	[spmem:s5] =	stream.linear.scatter [tilespmem:s20], [sflag:$0x2], $0x2000, $0x38;
	[tilespmem:$0x17540] =	vst v63  }
0x20: {  	_ =	swait.ge [sflag:s21], $0x2000  }
0x21: {  	[sflag:s21] =	ssyncset.done $0x0  }
0x22: {  	[sflag:s21] =	ssyncadd.s32 $0xFFFFE000  }
0x23: {  	[spmem:s6] =	stream.linear.scatter [tilespmem:s20], [sflag:$0x2], $0x2000, $0x38;
	[tilespmem:$0x17540] =	vst v63  }
0x24: {  	_ =	swait.ge [sflag:s21], $0x2000  }
0x25: {  	[sflag:s21] =	ssyncset.done $0x0  }
0x26: {  	[sflag:s21] =	ssyncadd.s32 $0xFFFFE000  }
0x27: {  	[spmem:s7] =	stream.linear.scatter [tilespmem:s20], [sflag:$0x2], $0x2000, $0x38;
	[tilespmem:$0x17540] =	vst v63  }
0x28: {  	_ =	swait.ge [sflag:s21], $0x2000  }
0x29: {  	[sflag:s21] =	ssyncset.done $0x0  }
0x2a: {  	[sflag:s21] =	ssyncadd.s32 $0xFFFFE000  }
0x2b: {  	[spmem:s8] =	stream.linear.scatter [tilespmem:s20], [sflag:$0x2], $0x2000, $0x38;
	[tilespmem:$0x17540] =	vst v63  }
0x2c: {  	_ =	swait.ge [sflag:s21], $0x2000  }
0x2d: {  	[sflag:s21] =	ssyncset.done $0x0  }
0x2e: {  	[sflag:s21] =	ssyncadd.s32 $0xFFFFE000  }
0x2f: {  	[spmem:s9] =	stream.linear.scatter [tilespmem:s20], [sflag:$0x2], $0x2000, $0x38;
	[tilespmem:$0x17540] =	vst v63  }
0x30: {  	_ =	swait.ge [sflag:s21], $0x2000  }
0x31: {  	[sflag:s21] =	ssyncset.done $0x0  }
0x32: {  	[sflag:s21] =	ssyncadd.s32 $0xFFFFE000  }
0x33: {  	s28 =	simm.s32 $0x0;
	[bflag:$0x0] =	sbarrier.arrive $0xFFFF  }
0x34: {  	[tilespmem:s28], [sflag:$0x2] =	stream.linear.gather [hbm4b:s10+s28], $0x4E20, $0x38;
	[tilespmem:$0x17540] =	vst v63  }
0x35: {  	_ =	swait.ge [sflag:s21], $0x4E20  }
0x36: {  	[sflag:s21] =	ssyncset.done $0x0  }
0x37: {  	s31 =	simm.s32 $0x4E20;
	[sflag:s21] =	ssyncadd.s32 $0xFFFFB1E0  }
0x38: {  	[tilespmem:s31], [sflag:$0x2] =	stream.linear.gather [hbm4b:s11+s28], $0x4E20, $0x38;
	[tilespmem:$0x17540] =	vst v63  }
0x39: {  	_ =	swait.ge [sflag:s21], $0x4E20  }
0x3a: {  	[sflag:s21] =	ssyncset.done $0x0  }
0x3b: {  	s29 =	simm.s32 $0x0;
	[sflag:s21] =	ssyncadd.s32 $0xFFFFB1E0  }
.LBB2_4:
0x3c: {  	s30 =	smul.u32 $0x50, s29  }
0x3d: {  	s0 =	smul.u32 $0x500, s29  }
0x3e: {  	[tilespmem:s24], [sflag:$0x1] =	stream.indirect.gather [hbm4b:s12+s23], $0x40, s30, s23, $0xb8;
	[tilespmem:$0x17540] =	vst v63  }
0x3f: {  	s0 =	sadd.s32 s13, s0;
	_ =	swait.ge [sflag:s25], $0x1400  }
0x40: {  	s0 =	sshrl.u32 s0, $0x3;
	[sflag:s25] =	ssyncset.done $0x0  }
0x41: {  	s0 =	sadd.s32 s4, s0;
	[sflag:s25] =	ssyncadd.s32 $0xFFFFEC00  }
0x42: {  	[tilespmem:s26], [sflag:$0x2] =	stream.linear.gather [hbm4b:s0+s28], $0x500, $0x38;
	[tilespmem:$0x17540] =	vst v63  }
0x43: {  	_ =	swait.ge [sflag:s21], $0x500  }
0x44: {  	[sflag:s21] =	ssyncset.done $0x0  }
0x45: {  	s31 =	simm.s32 $0xA160;
	[sflag:s21] =	ssyncadd.s32 $0xFFFFFB00  }
0x46: {  	v1 =	vld [tilespmem:s31+$0xFFFFFFF0]  }
0x47: {  	v3 =	vld [tilespmem:s31+$0x10]  }
0x48: {  	s22 =	simm.s32 $0x0;
	v2 =	vld [tilespmem:s31+$0xFFFFFFE0]  }
0x49: {  	v5 =	vld [tilespmem:s22+$0x9C40]  }
0x4a: {  	v6 =	vld [tilespmem:s31+$0x0];
	_ =	sdelay $0x3  }
0x4b: {  	v2 =	vmul.f32 v2, v5;
	v4 =	vmul.f32 v3, v5  }
0x4c: {  	s1 =	simm.s32 $0xA160;
	s0 =	simm.s32 $0x40;
	v3 =	vmul.f32 v1, v5;
	v1 =	vmul.f32 v6, v5  }
.LBB2_5:
0x4d: {  	p0 =	sne.s32 s0, $0x13C0  }
0x4e: {  	[tilespmem:s31+$0x10] =	vst v4;
	s1 =	sadd.s32 $0x40, s1;
	s22 =	smov.u32 s0;
	s0 =	sadd.s32 $0x40, s0  }
0x4f: {  	v5 =	vld [tilespmem:s1+$0xFFFFFFF0];
	[tilespmem:s31+$0xFFFFFFE0] =	vst v2  }
0x50: {  	v4 =	vld [tilespmem:s1+$0x10];
	[tilespmem:s31+$0xFFFFFFF0] =	vst v3  }
0x51: {  	s22 =	sshra.s32 s22, $0x2;
	v2 =	vld [tilespmem:s1+$0xFFFFFFE0];
	[tilespmem:s31+$0x0] =	vst v1;
	s31 =	smov.u32 s1  }
0x52: {  	v1 =	vld [tilespmem:s22+$0x9C40]  }
0x53: {  	v6 =	vld [tilespmem:s1+$0x0]  }
.Ltmp1:
0x54: {  	(pc) =	sbr.rel @p0 .LBB2_5-.Ltmp1, $3  }
0x55: {  	_ =	sdelay $0x1  }
0x56: {  	v2 =	vmul.f32 v2, v1;
	v4 =	vmul.f32 v4, v1  }
0x57: {  	v3 =	vmul.f32 v5, v1;
	v1 =	vmul.f32 v6, v1  }
0x58: {  	[tilespmem:s31+$0x10] =	vst v4  }
0x59: {  	[tilespmem:s31+$0xFFFFFFE0] =	vst v2;
	s29 =	sadd.s32 $0x1, s29  }
0x5a: {  	[tilespmem:s31+$0xFFFFFFF0] =	vst v3;
	p0 =	sne.s32 s29, $0xFA  }
.Ltmp2:
0x5b: {  	s0 =	sadd.s32 $0x4E20, s30;
	[tilespmem:s31+$0x0] =	vst v1;
	(pc) =	sbr.rel @p0 .LBB2_4-.Ltmp2, $4  }
0x5c: {  	[spmem:s2] =	stream.indirect.scatter.add.f32 [tilespmem:s24], [sflag:$0x2], $0x40, s0, s23, $0xb8;
	[tilespmem:$0x17540] =	vst v63  }
0x5d: {  	_ =	swait.ge [sflag:s21], $0x1400  }
0x5e: {  	[sflag:s21] =	ssyncset.done $0x0  }
0x5f: {  	[sflag:s21] =	ssyncadd.s32 $0xFFFFEC00  }
0x60: {  	s0 =	stileid.u32  }
0x61: {  	s0 =	sshll.u32 s0, $0x6  }
0x62: {  	[bflag:$0x0] =	sbarrier.arrive $0xFFFF;
	s1 =	sshrl.u32 s5, $0x3;
	s0 =	sor.u32 $0x1C02, s0  }
0x63: {  	[hbm:s14], [sflag:s0] =	dma.local [spmem:s1], $0x400  }
0x64: {  	_ =	swait.ge [sflag:s21], $0x400  }
0x65: {  	[sflag:s21] =	ssyncset.done $0x0  }
0x66: {  	s28 =	sshrl.u32 s6, $0x3;
	[sflag:s21] =	ssyncadd.s32 $0xFFFFFC00  }
0x67: {  	[hbm:s15], [sflag:s0] =	dma.local [spmem:s28], $0x400  }
0x68: {  	_ =	swait.ge [sflag:s21], $0x400  }
0x69: {  	[sflag:s21] =	ssyncset.done $0x0  }
0x6a: {  	s29 =	sshrl.u32 s7, $0x3;
	[sflag:s21] =	ssyncadd.s32 $0xFFFFFC00  }
0x6b: {  	[hbm:s16], [sflag:s0] =	dma.local [spmem:s29], $0x400  }
0x6c: {  	_ =	swait.ge [sflag:s21], $0x400  }
0x6d: {  	[sflag:s21] =	ssyncset.done $0x0  }
0x6e: {  	s30 =	sshrl.u32 s8, $0x3;
	[sflag:s21] =	ssyncadd.s32 $0xFFFFFC00  }
0x6f: {  	[hbm:s17], [sflag:s0] =	dma.local [spmem:s30], $0x400  }
0x70: {  	s3 =	sadd.s32 $0x1, s3;
	_ =	swait.ge [sflag:s21], $0x400  }
0x71: {  	p0 =	sne.s32 s3, s19;
	[sflag:s21] =	ssyncset.done $0x0  }
.Ltmp3:
0x72: {  	s31 =	sshrl.u32 s9, $0x3;
	[sflag:s21] =	ssyncadd.s32 $0xFFFFFC00;
	(pc) =	sbr.rel @p0 .LBB2_1-.Ltmp3, $4  }
0x73: {  	[hbm:s18], [sflag:s0] =	dma.local [spmem:s31], $0x400  }
0x74: {  	_ =	swait.ge [sflag:s21], $0x400  }
0x75: {  	[sflag:s21] =	ssyncset.done $0x0  }
0x76: {  	[sflag:s21] =	ssyncadd.s32 $0xFFFFFC00  }
0x77: {  	_ =	sfence.sel $0x180000  }
0x78: {  	[bflag:$0x0] =	sbarrier.arrive $0xFFFF  }
0x79: {  	_ =	strace $0x9000004A  }
0x7a: {  	s0 =	stileid.u32;
	[bflag:$0x2] =	sbarrier.arrive $0xFFFF  }
0x7b: {  	p0 =	sne.s32 s0, $0x0;
	s0 =	rddreg [dreg:$0x3]  }
0x7c: {  	s0 =	sadd.s32 @!p0 $0x100000, s0  }
0x7d: {  	[sflag:s0] =	ssyncadd.tile.s32 @!p0 $0x1;
	_ =	shalt  }
.Lfunc_end2:
_tile_overlayer_lowered:
.L_overlay_start_2:
0x7e: {  	(tag) =	ssettag $0x2  }
0x7f: {  	s0 =	rddreg [dreg:$0x0];
	s2 =	stileid.u32  }
0x80: {  	s1 =	rddreg [dreg:$0x1];
	p0 =	sne.s32 s2, $0x0  }
0x81: {  	s3 =	rddreg [dreg:$0x2];
	[bflag:$0x3] =	sbarrier.arrive $0xFFFF;
	s2 =	simm.s32 @!p0 $0x1C02  }
0x82: {  	[timem:s3], [sflag:s2] =	dma.local @!p0 [hbm:s0], s1  }
0x83: {  	s0 =	simm.s32 @!p0 $0x2  }
0x84: {  	_ =	swait.ge @!p0 [sflag:s0], s1  }
0x85: {  	s1 =	ssub.s32 @!p0 $0x0, s1;
	[sflag:s0] =	ssyncset.done @!p0 $0x0  }
0x86: {  	[sflag:s0] =	ssyncadd.s32 @!p0 s1  }
0x87: {  	[bflag:$0x3] =	sbarrier.arrive $0xFFFF  }
0x88: {  	_ =	shalt  }

</sc_bundles>
